<compile_context>
chip_gen: v7x
topology: tpu7x:2x2x1
jax: 0.10.2.dev20260603
libtpu: 0.0.44.dev20260713+nightly
codegen_flags: <defaults>
</compile_context>

<pallas_src>
import jax
import jax.numpy as jnp
from jax import lax
from jax.experimental import pallas as pl
from jax.experimental.pallas import tpu as pltpu
from jax.experimental.pallas import tpu_sc as plsc

N_POINTS = 320000
N_SEG = 10000
D = 128
L = 16
NC = 2
NS = 16
NW = NC * NS
P_PER_TILE = N_POINTS // NW
CHUNK = 80
N_CHUNKS = P_PER_TILE // CHUNK
VPC = CHUNK // L
SEG_PER_SUB = 632


def _accumulate(data, ids, zacc, acc_out, cnt_out,
                rows_v, idx2_v, idxf_v, cnt_v, mx_v, acc_sh,
                semr, semi, sems):
    c = lax.axis_index("c")
    s = lax.axis_index("s")
    t = c * NS + s
    base = t * P_PER_TILE
    zs = jnp.minimum(s * SEG_PER_SUB, N_SEG - SEG_PER_SUB)

    pltpu.sync_copy(zacc.at[pl.ds(zs, SEG_PER_SUB)],
                    acc_sh.at[pl.ds(zs, SEG_PER_SUB)])

    pltpu.async_copy(ids.at[pl.ds(base, P_PER_TILE)],
                     idxf_v.at[pl.ds(0, P_PER_TILE)], sems)
    pltpu.async_copy(ids.at[pl.ds(base, CHUNK)], idx2_v.at[0], semi.at[0])
    pltpu.async_copy(ids.at[pl.ds(base + CHUNK, CHUNK)], idx2_v.at[1],
                     semi.at[1])

    def zero_cnt(i, _):
        cnt_v[pl.ds(i * L, L)] = jnp.zeros((L,), jnp.float32)
        return 0
    lax.fori_loop(0, N_SEG // L, zero_cnt, 0)
    mx_v[pl.ds(0, L)] = jnp.full((L,), -1, jnp.int32)

    pltpu.make_async_copy(ids.at[pl.ds(base, P_PER_TILE)],
                          idxf_v.at[pl.ds(0, P_PER_TILE)], sems).wait()

    idxf_v[pl.ds(P_PER_TILE, L)] = jnp.full((L,), -1, jnp.int32)

    plsc.subcore_barrier()

    pltpu.async_copy(data.at[pl.ds(base, CHUNK)], rows_v.at[0],
                     semr.at[0])
    iota = lax.iota(jnp.int32, L)

    def runlen_vec(m, prev_end):
        pos0 = m * L
        q = idxf_v[pl.ds(pos0, L)]
        nxt = idxf_v[pl.ds(pos0 + 1, L)]
        b_end = q != nxt
        pos = iota + pos0
        ends = jnp.where(b_end, pos, -1)
        mx_v[pl.ds(1, L)] = plsc.cummax(ends)
        excl = mx_v[pl.ds(0, L)]
        prev = jnp.maximum(excl, jnp.full((L,), prev_end))
        counts = (pos - prev).astype(jnp.float32)
        plsc.store_scatter(cnt_v, [q], counts, mask=b_end)
        return jnp.max(jnp.where(b_end, pos, jnp.full((L,), prev_end)))

    def body_a(j, prev_end):
        jm = lax.rem(j, 2)
        jr = lax.rem(j, 4)
        pltpu.make_async_copy(data.at[pl.ds(base, CHUNK)],
                              rows_v.at[jm], semr.at[jm]).wait()
        pltpu.make_async_copy(ids.at[pl.ds(base, CHUNK)],
                              idx2_v.at[jr], semi.at[jm]).wait()

        @pl.when(j + 1 < N_CHUNKS)
        def _():
            jn = lax.rem(j + 1, 2)
            pltpu.async_copy(data.at[pl.ds(base + (j + 1) * CHUNK, CHUNK)],
                             rows_v.at[jn], semr.at[jn])

        @pl.when(j + 2 < N_CHUNKS)
        def _():
            pltpu.async_copy(ids.at[pl.ds(base + (j + 2) * CHUNK, CHUNK)],
                             idx2_v.at[lax.rem(j + 2, 4)], semi.at[jm])

        pltpu.make_async_copy(rows_v.at[jm], acc_sh.at[idx2_v.at[jr]],
                              sems).start(add=True)
        for v in range(VPC):
            prev_end = runlen_vec(j * VPC + v, prev_end)
        pltpu.make_async_copy(rows_v.at[jm], acc_sh.at[idx2_v.at[jr]],
                              sems).wait()
        return prev_end

    lax.fori_loop(0, N_CHUNKS, body_a, jnp.int32(-1))

    plsc.subcore_barrier()
    pltpu.sync_copy(acc_sh.at[pl.ds(zs, SEG_PER_SUB)],
                    acc_out.at[pl.ds(c * N_SEG + zs, SEG_PER_SUB)])
    pltpu.sync_copy(cnt_v, cnt_out.at[pl.ds(t * N_SEG, N_SEG)])


def _divide(a0, a1, cnt, o):
    csum = jnp.maximum(jnp.sum(cnt[...], axis=0), jnp.float32(1.0))
    o[...] = (a0[...] + a1[...]) / csum[:, None]


def kernel(data, segment_ids):
    mesh = plsc.VectorSubcoreMesh(core_axis_name="c", subcore_axis_name="s",
                                  num_cores=NC, num_subcores=NS)
    ids = segment_ids.astype(jnp.int32)
    zacc = jnp.zeros((N_SEG, D), jnp.float32)

    acc_pair, cnt_flat = pl.kernel(
        _accumulate,
        out_type=(
            jax.ShapeDtypeStruct((NC * N_SEG, D), jnp.float32),
            jax.ShapeDtypeStruct((NW * N_SEG,), jnp.float32),
        ),
        mesh=mesh,
        scratch_types=[
            pltpu.VMEM((2, CHUNK, D), jnp.float32),
            pltpu.VMEM((4, CHUNK), jnp.int32),
            pltpu.VMEM((P_PER_TILE + L,), jnp.int32),
            pltpu.VMEM((N_SEG,), jnp.float32),
            pltpu.VMEM((L + 8,), jnp.int32),
            pltpu.VMEM_SHARED((N_SEG, D), jnp.float32),
            pltpu.SemaphoreType.DMA((2,)),
            pltpu.SemaphoreType.DMA((2,)),
            pltpu.SemaphoreType.DMA,
        ],
        compiler_params=pltpu.CompilerParams(needs_layout_passes=False),
    )(data, ids, zacc)

    cnts = cnt_flat.reshape(NW, N_SEG)

    out = pl.pallas_call(
        _divide,
        out_shape=jax.ShapeDtypeStruct((N_SEG, D), jnp.float32),
    )(acc_pair[:N_SEG], acc_pair[N_SEG:], cnts)

    return out

# --- scband reference (transcript-rebuilt; emitter-appended) ---
"""Pipeline reference for scband-cluster-fusion-72026601554648 (READ-ONLY COPY).

The authoritative reference and input builder live on the scoring server;
editing this copy changes nothing except your own understanding.
"""

import jax, jax.numpy as jnp
import numpy as np

NUM_SEGMENTS = 10000
N_POINTS = 320000
D_FEAT = 128


def setup_inputs(seed: int = 0) -> dict:
    key = jax.random.key(seed)
    k1, k2 = jax.random.split(key)
    data = jax.random.normal(k1, (N_POINTS, D_FEAT), dtype=jnp.float32)
    segment_ids = jnp.sort(jax.random.randint(k2, (N_POINTS,), 0, NUM_SEGMENTS))
    return {"data": data, "segment_ids": segment_ids}


def reference(data, segment_ids):
    # Faithful jax translation of scatter_v2(feats, inds, mode='avg') used by
    # ClusterFusion: per-cluster mean of point-wise features (segment mean).
    seg_sum = jax.ops.segment_sum(data, segment_ids, num_segments=NUM_SEGMENTS)
    ones = jnp.ones((data.shape[0], 1), dtype=data.dtype)
    counts = jax.ops.segment_sum(ones, segment_ids, num_segments=NUM_SEGMENTS)
    seg_mean = seg_sum / jnp.clip(counts, 1.0, None)
    return seg_mean

if __name__ == "__main__":
    import jax
    _d = setup_inputs()
    print(jax.jit(kernel)(*tuple(_d.values())))

</pallas_src>

<mosaic_0001>
#map = affine_map<(d0, d1) -> (0, 0)>
#map1 = affine_map<(d0, d1) -> (0)>
module attributes {stable_mosaic.version = 14 : i64} {
  func.func @_accumulate(%arg0: i32, %arg1: i32, %arg2: memref<320000x128xf32, #tpu.memory_space<hbm>>, %arg3: memref<320000xi32, #tpu.memory_space<hbm>>, %arg4: memref<10000x128xf32, #tpu.memory_space<hbm>>, %arg5: memref<20000x128xf32, #tpu.memory_space<hbm>>, %arg6: memref<320000xf32, #tpu.memory_space<hbm>>, %arg7: memref<2x80x128xf32, #tpu.memory_space<vmem>>, %arg8: memref<4x80xi32, #tpu.memory_space<vmem>>, %arg9: memref<10016xi32, #tpu.memory_space<vmem>>, %arg10: memref<10000xf32, #tpu.memory_space<vmem>>, %arg11: memref<24xi32, #tpu.memory_space<vmem>>, %arg12: memref<10000x128xf32, #tpu.memory_space<vmem_shared>>, %arg13: memref<2x!tpu.dma_semaphore, #tpu.memory_space<semaphore_mem>>, %arg14: memref<2x!tpu.dma_semaphore, #tpu.memory_space<semaphore_mem>>, %arg15: memref<!tpu.dma_semaphore, #tpu.memory_space<semaphore_mem>>) attributes {dimension_semantics = [#tpu.dimension_semantics<core_parallel>, #tpu.dimension_semantics<subcore_parallel>], iteration_bounds = array<i64: 2, 16>, scalar_prefetch = 0 : i64, scratch_operands = 9 : i64, tpu.core_type = #tpu.core_type<sc_vector_subcore>, window_params = [{transform_indices = #map}, {transform_indices = #map1}, {transform_indices = #map}, {transform_indices = #map}, {transform_indices = #map1}]} {
    %mul3A = arith.constant 16 : i32
    %mul3A_0 = arith.muli %arg0, %mul3A : i32
    %add3A = arith.addi %mul3A_0, %arg1 : i32
    %mul3A_1 = arith.constant 10000 : i32
    %mul3A_2 = arith.muli %add3A, %mul3A_1 : i32
    %mul3A_3 = arith.constant 632 : i32
    %mul3A_4 = arith.muli %arg1, %mul3A_3 : i32
    %min3A = arith.constant 9368 : i32
    %min3A_5 = arith.minsi %mul3A_4, %min3A : i32
    "tpu.region"() ({
      %run_scoped3A = tpu.sem_alloc : memref<!tpu.dma_semaphore, #tpu.memory_space<semaphore_mem>>
      %dma_start3A_83 = arith.constant 0 : i32
      %dma_start3A_84 = tpu.memref_slice %arg12[%min3A_5, %dma_start3A_83] : memref<10000x128xf32, #tpu.memory_space<vmem_shared>> -> memref<632x128xf32, #tpu.memory_space<vmem_shared>>
      %dma_start3A_85 = arith.constant 0 : i32
      %dma_start3A_86 = tpu.memref_slice %arg4[%min3A_5, %dma_start3A_85] : memref<10000x128xf32, #tpu.memory_space<hbm>> -> memref<632x128xf32, #tpu.memory_space<hbm>>
      tpu.enqueue_dma source(%dma_start3A_86 : memref<632x128xf32, #tpu.memory_space<hbm>>) target(%dma_start3A_84 : memref<632x128xf32, #tpu.memory_space<vmem_shared>>) target_semaphore(%run_scoped3A : memref<!tpu.dma_semaphore, #tpu.memory_space<semaphore_mem>>)
      %dma_wait3A_87 = arith.constant 0 : i32
      %dma_wait3A_88 = tpu.memref_slice %arg12[%min3A_5, %dma_wait3A_87] : memref<10000x128xf32, #tpu.memory_space<vmem_shared>> -> memref<632x128xf32, #tpu.memory_space<vmem_shared>>
      %dma_wait3A_89 = arith.constant 0 : i32
      %dma_wait3A_90 = tpu.memref_slice %arg4[%min3A_5, %dma_wait3A_89] : memref<10000x128xf32, #tpu.memory_space<hbm>> -> memref<632x128xf32, #tpu.memory_space<hbm>>
      tpu.wait_dma2 semaphore(%run_scoped3A : memref<!tpu.dma_semaphore, #tpu.memory_space<semaphore_mem>>) src(%dma_wait3A_90 : memref<632x128xf32, #tpu.memory_space<hbm>>) dst(%dma_wait3A_88 : memref<632x128xf32, #tpu.memory_space<vmem_shared>>)
      tpu.yield
    }) : () -> ()
    %dma_start3A = arith.constant 0 : i32
    %dma_start3A_6 = tpu.memref_slice %arg9[%dma_start3A] : memref<10016xi32, #tpu.memory_space<vmem>> -> memref<10000xi32, #tpu.memory_space<vmem>>
    %dma_start3A_7 = tpu.memref_slice %arg3[%mul3A_2] : memref<320000xi32, #tpu.memory_space<hbm>> -> memref<10000xi32, #tpu.memory_space<hbm>>
    %dma_start3A_8 = arith.constant 0 : i32
    %dma_start3A_9 = tpu.memref_slice %arg9[%dma_start3A_8] : memref<10016xi32, #tpu.memory_space<vmem>> -> memref<10000xi32, #tpu.memory_space<vmem>>
    %dma_start3A_10 = tpu.memref_slice %arg3[%mul3A_2] : memref<320000xi32, #tpu.memory_space<hbm>> -> memref<10000xi32, #tpu.memory_space<hbm>>
    tpu.enqueue_dma source(%dma_start3A_10 : memref<10000xi32, #tpu.memory_space<hbm>>) target(%dma_start3A_9 : memref<10000xi32, #tpu.memory_space<vmem>>) target_semaphore(%arg15 : memref<!tpu.dma_semaphore, #tpu.memory_space<semaphore_mem>>)
    %dma_start3A_11 = arith.constant 0 : i32
    %dma_start3A_12 = arith.constant 0 : i32
    %dma_start3A_13 = arith.constant 0 : i32
    %dma_start3A_14 = tpu.memref_slice %arg8[%dma_start3A_11, %dma_start3A_13] : memref<4x80xi32, #tpu.memory_space<vmem>> -> memref<1x80xi32, #tpu.memory_space<vmem>>
    %dma_start3A_15 = tpu.memref_squeeze %dma_start3A_14 : memref<1x80xi32, #tpu.memory_space<vmem>> -> memref<80xi32, #tpu.memory_space<vmem>>
    %dma_start3A_16 = tpu.memref_slice %arg3[%mul3A_2] : memref<320000xi32, #tpu.memory_space<hbm>> -> memref<80xi32, #tpu.memory_space<hbm>>
    %dma_start3A_17 = tpu.memref_slice %arg14[%dma_start3A_12] : memref<2x!tpu.dma_semaphore, #tpu.memory_space<semaphore_mem>> -> memref<1x!tpu.dma_semaphore, #tpu.memory_space<semaphore_mem>>
    %dma_start3A_18 = tpu.memref_squeeze %dma_start3A_17 : memref<1x!tpu.dma_semaphore, #tpu.memory_space<semaphore_mem>> -> memref<!tpu.dma_semaphore, #tpu.memory_space<semaphore_mem>>
    %dma_start3A_19 = arith.constant 0 : i32
    %dma_start3A_20 = tpu.memref_slice %arg8[%dma_start3A_11, %dma_start3A_19] : memref<4x80xi32, #tpu.memory_space<vmem>> -> memref<1x80xi32, #tpu.memory_space<vmem>>
    %dma_start3A_21 = tpu.memref_squeeze %dma_start3A_20 : memref<1x80xi32, #tpu.memory_space<vmem>> -> memref<80xi32, #tpu.memory_space<vmem>>
    %dma_start3A_22 = tpu.memref_slice %arg3[%mul3A_2] : memref<320000xi32, #tpu.memory_space<hbm>> -> memref<80xi32, #tpu.memory_space<hbm>>
    tpu.enqueue_dma source(%dma_start3A_22 : memref<80xi32, #tpu.memory_space<hbm>>) target(%dma_start3A_21 : memref<80xi32, #tpu.memory_space<vmem>>) target_semaphore(%dma_start3A_18 : memref<!tpu.dma_semaphore, #tpu.memory_space<semaphore_mem>>)
    %add3A_23 = arith.constant 80 : i32
    %add3A_24 = arith.addi %mul3A_2, %add3A_23 : i32
    %dma_start3A_25 = arith.constant 1 : i32
    %dma_start3A_26 = arith.constant 1 : i32
    %dma_start3A_27 = arith.constant 0 : i32
    %dma_start3A_28 = tpu.memref_slice %arg8[%dma_start3A_25, %dma_start3A_27] : memref<4x80xi32, #tpu.memory_space<vmem>> -> memref<1x80xi32, #tpu.memory_space<vmem>>
    %dma_start3A_29 = tpu.memref_squeeze %dma_start3A_28 : memref<1x80xi32, #tpu.memory_space<vmem>> -> memref<80xi32, #tpu.memory_space<vmem>>
    %dma_start3A_30 = tpu.memref_slice %arg3[%add3A_24] : memref<320000xi32, #tpu.memory_space<hbm>> -> memref<80xi32, #tpu.memory_space<hbm>>
    %dma_start3A_31 = tpu.memref_slice %arg14[%dma_start3A_26] : memref<2x!tpu.dma_semaphore, #tpu.memory_space<semaphore_mem>> -> memref<1x!tpu.dma_semaphore, #tpu.memory_space<semaphore_mem>>
    %dma_start3A_32 = tpu.memref_squeeze %dma_start3A_31 : memref<1x!tpu.dma_semaphore, #tpu.memory_space<semaphore_mem>> -> memref<!tpu.dma_semaphore, #tpu.memory_space<semaphore_mem>>
    %dma_start3A_33 = arith.constant 0 : i32
    %dma_start3A_34 = tpu.memref_slice %arg8[%dma_start3A_25, %dma_start3A_33] : memref<4x80xi32, #tpu.memory_space<vmem>> -> memref<1x80xi32, #tpu.memory_space<vmem>>
    %dma_start3A_35 = tpu.memref_squeeze %dma_start3A_34 : memref<1x80xi32, #tpu.memory_space<vmem>> -> memref<80xi32, #tpu.memory_space<vmem>>
    %dma_start3A_36 = tpu.memref_slice %arg3[%add3A_24] : memref<320000xi32, #tpu.memory_space<hbm>> -> memref<80xi32, #tpu.memory_space<hbm>>
    tpu.enqueue_dma source(%dma_start3A_36 : memref<80xi32, #tpu.memory_space<hbm>>) target(%dma_start3A_35 : memref<80xi32, #tpu.memory_space<vmem>>) target_semaphore(%dma_start3A_32 : memref<!tpu.dma_semaphore, #tpu.memory_space<semaphore_mem>>)
    %scan3A = arith.constant 0 : i32
    %scan3A_37 = arith.constant 0 : i32
    %scan3A_38 = arith.constant 625 : i32
    %scan3A_39 = arith.addi %scan3A_37, %scan3A_38 : i32
    %scan3A_40 = arith.constant 1 : i32
    %scan3A_41 = scf.for %scan3A_83 = %scan3A_37 to %scan3A_39 step %scan3A_40 iter_args(%scan3A_84 = %scan3A) -> (i32)  : i32 {
      %broadcast_in_dim3A_85 = arith.constant 0.000000e+00 : f32
      %broadcast_in_dim3A_86 = vector.broadcast %broadcast_in_dim3A_85 : f32 to vector<16xf32>
      %mul3A_87 = arith.constant 16 : i32
      %mul3A_88 = arith.muli %scan3A_83, %mul3A_87 : i32
      %swap3A_89 = arith.index_cast %mul3A_88 : i32 to index
      %swap3A_90 = tpu.vector_load %arg10[%swap3A_89] {strides = array<i32>} : memref<10000xf32, #tpu.memory_space<vmem>>, vector<16xf32>,
      tpu.vector_store %arg10[%swap3A_89], %broadcast_in_dim3A_86 {strides = array<i32>} : memref<10000xf32, #tpu.memory_space<vmem>>, vector<16xf32>,
      %scan3A_91 = arith.constant 0 : i32
      scf.yield %scan3A_91 : i32
    }
    %scan3A_42 = arith.constant 625 : i32
    %broadcast_in_dim3A = arith.constant -1 : i32
    %broadcast_in_dim3A_43 = vector.broadcast %broadcast_in_dim3A : i32 to vector<16xi32>
    %swap3A = arith.constant 0 : index
    %swap3A_44 = tpu.vector_load %arg11[%swap3A] {strides = array<i32>} : memref<24xi32, #tpu.memory_space<vmem>>, vector<16xi32>,
    tpu.vector_store %arg11[%swap3A], %broadcast_in_dim3A_43 {strides = array<i32>} : memref<24xi32, #tpu.memory_space<vmem>>, vector<16xi32>,
    %dma_wait3A = arith.constant 0 : i32
    %dma_wait3A_45 = tpu.memref_slice %arg9[%dma_wait3A] : memref<10016xi32, #tpu.memory_space<vmem>> -> memref<10000xi32, #tpu.memory_space<vmem>>
    %dma_wait3A_46 = tpu.memref_slice %arg3[%mul3A_2] : memref<320000xi32, #tpu.memory_space<hbm>> -> memref<10000xi32, #tpu.memory_space<hbm>>
    %dma_wait3A_47 = arith.constant 0 : i32
    %dma_wait3A_48 = tpu.memref_slice %arg9[%dma_wait3A_47] : memref<10016xi32, #tpu.memory_space<vmem>> -> memref<10000xi32, #tpu.memory_space<vmem>>
    %dma_wait3A_49 = tpu.memref_slice %arg3[%mul3A_2] : memref<320000xi32, #tpu.memory_space<hbm>> -> memref<10000xi32, #tpu.memory_space<hbm>>
    tpu.wait_dma2 semaphore(%arg15 : memref<!tpu.dma_semaphore, #tpu.memory_space<semaphore_mem>>) src(%dma_wait3A_49 : memref<10000xi32, #tpu.memory_space<hbm>>) dst(%dma_wait3A_48 : memref<10000xi32, #tpu.memory_space<vmem>>)
    %broadcast_in_dim3A_50 = arith.constant -1 : i32
    %broadcast_in_dim3A_51 = vector.broadcast %broadcast_in_dim3A_50 : i32 to vector<16xi32>
    %swap3A_52 = arith.constant 10000 : index
    %swap3A_53 = tpu.vector_load %arg9[%swap3A_52] {strides = array<i32>} : memref<10016xi32, #tpu.memory_space<vmem>>, vector<16xi32>,
    tpu.vector_store %arg9[%swap3A_52], %broadcast_in_dim3A_51 {strides = array<i32>} : memref<10016xi32, #tpu.memory_space<vmem>>, vector<16xi32>,
    %barrier3A = arith.constant 0 : index
    tpu.barrier barrier_id(%barrier3A)
    %dma_start3A_54 = arith.constant 0 : i32
    %dma_start3A_55 = arith.constant 0 : i32
    %dma_start3A_56 = arith.constant 0 : i32
    %dma_start3A_57 = arith.constant 0 : i32
    %dma_start3A_58 = tpu.memref_slice %arg7[%dma_start3A_54, %dma_start3A_56, %dma_start3A_57] : memref<2x80x128xf32, #tpu.memory_space<vmem>> -> memref<1x80x128xf32, #tpu.memory_space<vmem>>
    %dma_start3A_59 = tpu.memref_squeeze %dma_start3A_58 : memref<1x80x128xf32, #tpu.memory_space<vmem>> -> memref<80x128xf32, #tpu.memory_space<vmem>>
    %dma_start3A_60 = arith.constant 0 : i32
    %dma_start3A_61 = tpu.memref_slice %arg2[%mul3A_2, %dma_start3A_60] : memref<320000x128xf32, #tpu.memory_space<hbm>> -> memref<80x128xf32, #tpu.memory_space<hbm>>
    %dma_start3A_62 = tpu.memref_slice %arg13[%dma_start3A_55] : memref<2x!tpu.dma_semaphore, #tpu.memory_space<semaphore_mem>> -> memref<1x!tpu.dma_semaphore, #tpu.memory_space<semaphore_mem>>
    %dma_start3A_63 = tpu.memref_squeeze %dma_start3A_62 : memref<1x!tpu.dma_semaphore, #tpu.memory_space<semaphore_mem>> -> memref<!tpu.dma_semaphore, #tpu.memory_space<semaphore_mem>>
    %dma_start3A_64 = arith.constant 0 : i32
    %dma_start3A_65 = arith.constant 0 : i32
    %dma_start3A_66 = tpu.memref_slice %arg7[%dma_start3A_54, %dma_start3A_64, %dma_start3A_65] : memref<2x80x128xf32, #tpu.memory_space<vmem>> -> memref<1x80x128xf32, #tpu.memory_space<vmem>>
    %dma_start3A_67 = tpu.memref_squeeze %dma_start3A_66 : memref<1x80x128xf32, #tpu.memory_space<vmem>> -> memref<80x128xf32, #tpu.memory_space<vmem>>
    %dma_start3A_68 = arith.constant 0 : i32
    %dma_start3A_69 = tpu.memref_slice %arg2[%mul3A_2, %dma_start3A_68] : memref<320000x128xf32, #tpu.memory_space<hbm>> -> memref<80x128xf32, #tpu.memory_space<hbm>>
    tpu.enqueue_dma source(%dma_start3A_69 : memref<80x128xf32, #tpu.memory_space<hbm>>) target(%dma_start3A_67 : memref<80x128xf32, #tpu.memory_space<vmem>>) target_semaphore(%dma_start3A_63 : memref<!tpu.dma_semaphore, #tpu.memory_space<semaphore_mem>>)
    %iota3A = tpu.iota {dimensions = array<i32: 0>} : vector<16xi32>
    %scan3A_70 = arith.constant -1 : i32
    %scan3A_71 = arith.constant 0 : i32
    %scan3A_72 = arith.constant 125 : i32
    %scan3A_73 = arith.addi %scan3A_71, %scan3A_72 : i32
    %scan3A_74 = arith.constant 1 : i32
    %scan3A_75 = scf.for %scan3A_83 = %scan3A_71 to %scan3A_73 step %scan3A_74 iter_args(%scan3A_84 = %scan3A_70) -> (i32)  : i32 {
      %rem3A = arith.constant 2 : i32
      %rem3A_85 = arith.remsi %scan3A_83, %rem3A : i32
      %rem3A_86 = arith.constant 4 : i32
      %rem3A_87 = arith.remsi %scan3A_83, %rem3A_86 : i32
      %dma_wait3A_88 = arith.constant 0 : i32
      %dma_wait3A_89 = arith.constant 0 : i32
      %dma_wait3A_90 = tpu.memref_slice %arg7[%rem3A_85, %dma_wait3A_88, %dma_wait3A_89] : memref<2x80x128xf32, #tpu.memory_space<vmem>> -> memref<1x80x128xf32, #tpu.memory_space<vmem>>
      %dma_wait3A_91 = tpu.memref_squeeze %dma_wait3A_90 : memref<1x80x128xf32, #tpu.memory_space<vmem>> -> memref<80x128xf32, #tpu.memory_space<vmem>>
      %dma_wait3A_92 = arith.constant 0 : i32
      %dma_wait3A_93 = tpu.memref_slice %arg2[%mul3A_2, %dma_wait3A_92] : memref<320000x128xf32, #tpu.memory_space<hbm>> -> memref<80x128xf32, #tpu.memory_space<hbm>>
      %dma_wait3A_94 = tpu.memref_slice %arg13[%rem3A_85] : memref<2x!tpu.dma_semaphore, #tpu.memory_space<semaphore_mem>> -> memref<1x!tpu.dma_semaphore, #tpu.memory_space<semaphore_mem>>
      %dma_wait3A_95 = tpu.memref_squeeze %dma_wait3A_94 : memref<1x!tpu.dma_semaphore, #tpu.memory_space<semaphore_mem>> -> memref<!tpu.dma_semaphore, #tpu.memory_space<semaphore_mem>>
      %dma_wait3A_96 = arith.constant 0 : i32
      %dma_wait3A_97 = arith.constant 0 : i32
      %dma_wait3A_98 = tpu.memref_slice %arg7[%rem3A_85, %dma_wait3A_96, %dma_wait3A_97] : memref<2x80x128xf32, #tpu.memory_space<vmem>> -> memref<1x80x128xf32, #tpu.memory_space<vmem>>
      %dma_wait3A_99 = tpu.memref_squeeze %dma_wait3A_98 : memref<1x80x128xf32, #tpu.memory_space<vmem>> -> memref<80x128xf32, #tpu.memory_space<vmem>>
      %dma_wait3A_100 = arith.constant 0 : i32
      %dma_wait3A_101 = tpu.memref_slice %arg2[%mul3A_2, %dma_wait3A_100] : memref<320000x128xf32, #tpu.memory_space<hbm>> -> memref<80x128xf32, #tpu.memory_space<hbm>>
      tpu.wait_dma2 semaphore(%dma_wait3A_95 : memref<!tpu.dma_semaphore, #tpu.memory_space<semaphore_mem>>) src(%dma_wait3A_101 : memref<80x128xf32, #tpu.memory_space<hbm>>) dst(%dma_wait3A_99 : memref<80x128xf32, #tpu.memory_space<vmem>>)
      %dma_wait3A_102 = arith.constant 0 : i32
      %dma_wait3A_103 = tpu.memref_slice %arg8[%rem3A_87, %dma_wait3A_102] : memref<4x80xi32, #tpu.memory_space<vmem>> -> memref<1x80xi32, #tpu.memory_space<vmem>>
      %dma_wait3A_104 = tpu.memref_squeeze %dma_wait3A_103 : memref<1x80xi32, #tpu.memory_space<vmem>> -> memref<80xi32, #tpu.memory_space<vmem>>
      %dma_wait3A_105 = tpu.memref_slice %arg3[%mul3A_2] : memref<320000xi32, #tpu.memory_space<hbm>> -> memref<80xi32, #tpu.memory_space<hbm>>
      %dma_wait3A_106 = tpu.memref_slice %arg14[%rem3A_85] : memref<2x!tpu.dma_semaphore, #tpu.memory_space<semaphore_mem>> -> memref<1x!tpu.dma_semaphore, #tpu.memory_space<semaphore_mem>>
      %dma_wait3A_107 = tpu.memref_squeeze %dma_wait3A_106 : memref<1x!tpu.dma_semaphore, #tpu.memory_space<semaphore_mem>> -> memref<!tpu.dma_semaphore, #tpu.memory_space<semaphore_mem>>
      %dma_wait3A_108 = arith.constant 0 : i32
      %dma_wait3A_109 = tpu.memref_slice %arg8[%rem3A_87, %dma_wait3A_108] : memref<4x80xi32, #tpu.memory_space<vmem>> -> memref<1x80xi32, #tpu.memory_space<vmem>>
      %dma_wait3A_110 = tpu.memref_squeeze %dma_wait3A_109 : memref<1x80xi32, #tpu.memory_space<vmem>> -> memref<80xi32, #tpu.memory_space<vmem>>
      %dma_wait3A_111 = tpu.memref_slice %arg3[%mul3A_2] : memref<320000xi32, #tpu.memory_space<hbm>> -> memref<80xi32, #tpu.memory_space<hbm>>
      tpu.wait_dma2 semaphore(%dma_wait3A_107 : memref<!tpu.dma_semaphore, #tpu.memory_space<semaphore_mem>>) src(%dma_wait3A_111 : memref<80xi32, #tpu.memory_space<hbm>>) dst(%dma_wait3A_110 : memref<80xi32, #tpu.memory_space<vmem>>)
      %add3A_112 = arith.constant 1 : i32
      %add3A_113 = arith.addi %scan3A_83, %add3A_112 : i32
      %lt3A = arith.constant 125 : i32
      %lt3A_114 = arith.cmpi slt, %add3A_113, %lt3A : i32
      %convert_element_type3A = arith.extui %lt3A_114 : i1 to i32
      %cond3A = arith.constant 0 : i32
      %cond3A_115 = arith.cmpi ne, %convert_element_type3A, %cond3A : i32
      scf.if %cond3A_115 {
        %add3A_350 = arith.constant 1 : i32
        %add3A_351 = arith.addi %scan3A_83, %add3A_350 : i32
        %rem3A_352 = arith.constant 2 : i32
        %rem3A_353 = arith.remsi %add3A_351, %rem3A_352 : i32
        %add3A_354 = arith.constant 1 : i32
        %add3A_355 = arith.addi %scan3A_83, %add3A_354 : i32
        %mul3A_356 = arith.constant 80 : i32
        %mul3A_357 = arith.muli %add3A_355, %mul3A_356 : i32
        %add3A_358 = arith.addi %mul3A_2, %mul3A_357 : i32
        %dma_start3A_359 = arith.constant 0 : i32
        %dma_start3A_360 = arith.constant 0 : i32
        %dma_start3A_361 = tpu.memref_slice %arg7[%rem3A_353, %dma_start3A_359, %dma_start3A_360] : memref<2x80x128xf32, #tpu.memory_space<vmem>> -> memref<1x80x128xf32, #tpu.memory_space<vmem>>
        %dma_start3A_362 = tpu.memref_squeeze %dma_start3A_361 : memref<1x80x128xf32, #tpu.memory_space<vmem>> -> memref<80x128xf32, #tpu.memory_space<vmem>>
        %dma_start3A_363 = arith.constant 0 : i32
        %dma_start3A_364 = tpu.memref_slice %arg2[%add3A_358, %dma_start3A_363] : memref<320000x128xf32, #tpu.memory_space<hbm>> -> memref<80x128xf32, #tpu.memory_space<hbm>>
        %dma_start3A_365 = tpu.memref_slice %arg13[%rem3A_353] : memref<2x!tpu.dma_semaphore, #tpu.memory_space<semaphore_mem>> -> memref<1x!tpu.dma_semaphore, #tpu.memory_space<semaphore_mem>>
        %dma_start3A_366 = tpu.memref_squeeze %dma_start3A_365 : memref<1x!tpu.dma_semaphore, #tpu.memory_space<semaphore_mem>> -> memref<!tpu.dma_semaphore, #tpu.memory_space<semaphore_mem>>
        %dma_start3A_367 = arith.constant 0 : i32
        %dma_start3A_368 = arith.constant 0 : i32
        %dma_start3A_369 = tpu.memref_slice %arg7[%rem3A_353, %dma_start3A_367, %dma_start3A_368] : memref<2x80x128xf32, #tpu.memory_space<vmem>> -> memref<1x80x128xf32, #tpu.memory_space<vmem>>
        %dma_start3A_370 = tpu.memref_squeeze %dma_start3A_369 : memref<1x80x128xf32, #tpu.memory_space<vmem>> -> memref<80x128xf32, #tpu.memory_space<vmem>>
        %dma_start3A_371 = arith.constant 0 : i32
        %dma_start3A_372 = tpu.memref_slice %arg2[%add3A_358, %dma_start3A_371] : memref<320000x128xf32, #tpu.memory_space<hbm>> -> memref<80x128xf32, #tpu.memory_space<hbm>>
        tpu.enqueue_dma source(%dma_start3A_372 : memref<80x128xf32, #tpu.memory_space<hbm>>) target(%dma_start3A_370 : memref<80x128xf32, #tpu.memory_space<vmem>>) target_semaphore(%dma_start3A_366 : memref<!tpu.dma_semaphore, #tpu.memory_space<semaphore_mem>>)
      } else {
      }
      %add3A_116 = arith.constant 2 : i32
      %add3A_117 = arith.addi %scan3A_83, %add3A_116 : i32
      %lt3A_118 = arith.constant 125 : i32
      %lt3A_119 = arith.cmpi slt, %add3A_117, %lt3A_118 : i32
      %convert_element_type3A_120 = arith.extui %lt3A_119 : i1 to i32
      %cond3A_121 = arith.constant 0 : i32
      %cond3A_122 = arith.cmpi ne, %convert_element_type3A_120, %cond3A_121 : i32
      scf.if %cond3A_122 {
        %add3A_350 = arith.constant 2 : i32
        %add3A_351 = arith.addi %scan3A_83, %add3A_350 : i32
        %mul3A_352 = arith.constant 80 : i32
        %mul3A_353 = arith.muli %add3A_351, %mul3A_352 : i32
        %add3A_354 = arith.addi %mul3A_2, %mul3A_353 : i32
        %add3A_355 = arith.constant 2 : i32
        %add3A_356 = arith.addi %scan3A_83, %add3A_355 : i32
        %rem3A_357 = arith.constant 4 : i32
        %rem3A_358 = arith.remsi %add3A_356, %rem3A_357 : i32
        %dma_start3A_359 = arith.constant 0 : i32
        %dma_start3A_360 = tpu.memref_slice %arg8[%rem3A_358, %dma_start3A_359] : memref<4x80xi32, #tpu.memory_space<vmem>> -> memref<1x80xi32, #tpu.memory_space<vmem>>
        %dma_start3A_361 = tpu.memref_squeeze %dma_start3A_360 : memref<1x80xi32, #tpu.memory_space<vmem>> -> memref<80xi32, #tpu.memory_space<vmem>>
        %dma_start3A_362 = tpu.memref_slice %arg3[%add3A_354] : memref<320000xi32, #tpu.memory_space<hbm>> -> memref<80xi32, #tpu.memory_space<hbm>>
        %dma_start3A_363 = tpu.memref_slice %arg14[%rem3A_85] : memref<2x!tpu.dma_semaphore, #tpu.memory_space<semaphore_mem>> -> memref<1x!tpu.dma_semaphore, #tpu.memory_space<semaphore_mem>>
        %dma_start3A_364 = tpu.memref_squeeze %dma_start3A_363 : memref<1x!tpu.dma_semaphore, #tpu.memory_space<semaphore_mem>> -> memref<!tpu.dma_semaphore, #tpu.memory_space<semaphore_mem>>
        %dma_start3A_365 = arith.constant 0 : i32
        %dma_start3A_366 = tpu.memref_slice %arg8[%rem3A_358, %dma_start3A_365] : memref<4x80xi32, #tpu.memory_space<vmem>> -> memref<1x80xi32, #tpu.memory_space<vmem>>
        %dma_start3A_367 = tpu.memref_squeeze %dma_start3A_366 : memref<1x80xi32, #tpu.memory_space<vmem>> -> memref<80xi32, #tpu.memory_space<vmem>>
        %dma_start3A_368 = tpu.memref_slice %arg3[%add3A_354] : memref<320000xi32, #tpu.memory_space<hbm>> -> memref<80xi32, #tpu.memory_space<hbm>>
        tpu.enqueue_dma source(%dma_start3A_368 : memref<80xi32, #tpu.memory_space<hbm>>) target(%dma_start3A_367 : memref<80xi32, #tpu.memory_space<vmem>>) target_semaphore(%dma_start3A_364 : memref<!tpu.dma_semaphore, #tpu.memory_space<semaphore_mem>>)
      } else {
      }
      %dma_start3A_123 = arith.constant 0 : i32
      %dma_start3A_124 = arith.constant 0 : i32
      %dma_start3A_125 = tpu.memref_slice %arg7[%rem3A_85, %dma_start3A_123, %dma_start3A_124] : memref<2x80x128xf32, #tpu.memory_space<vmem>> -> memref<1x80x128xf32, #tpu.memory_space<vmem>>
      %dma_start3A_126 = tpu.memref_squeeze %dma_start3A_125 : memref<1x80x128xf32, #tpu.memory_space<vmem>> -> memref<80x128xf32, #tpu.memory_space<vmem>>
      %dma_start3A_127 = arith.constant 0 : i32
      %dma_start3A_128 = tpu.memref_slice %arg8[%rem3A_87, %dma_start3A_127] : memref<4x80xi32, #tpu.memory_space<vmem>> -> memref<1x80xi32, #tpu.memory_space<vmem>>
      %dma_start3A_129 = tpu.memref_squeeze %dma_start3A_128 : memref<1x80xi32, #tpu.memory_space<vmem>> -> memref<80xi32, #tpu.memory_space<vmem>>
      %dma_start3A_130 = arith.constant 0 : i32
      %dma_start3A_131 = arith.constant 0 : i32
      %dma_start3A_132 = tpu.memref_slice %arg12[%dma_start3A_130, %dma_start3A_131] : memref<10000x128xf32, #tpu.memory_space<vmem_shared>> -> memref<10000x128xf32, #tpu.memory_space<vmem_shared>>
      tpu.enqueue_indirect_dma source(%dma_start3A_126 : memref<80x128xf32, #tpu.memory_space<vmem>>) target(%dma_start3A_132 : memref<10000x128xf32, #tpu.memory_space<vmem_shared>>) offsets(%dma_start3A_129 : memref<80xi32, #tpu.memory_space<vmem>>) semaphore(%arg15 : memref<!tpu.dma_semaphore, #tpu.memory_space<semaphore_mem>>) {add = true}
      %mul3A_133 = arith.constant 5 : i32
      %mul3A_134 = arith.muli %scan3A_83, %mul3A_133 : i32
      %add3A_135 = arith.constant 0 : i32
      %add3A_136 = arith.addi %mul3A_134, %add3A_135 : i32
      %mul3A_137 = arith.constant 16 : i32
      %mul3A_138 = arith.muli %add3A_136, %mul3A_137 : i32
      %get3A = arith.index_cast %mul3A_138 : i32 to index
      %get3A_139 = tpu.vector_load %arg9[%get3A] {strides = array<i32>} : memref<10016xi32, #tpu.memory_space<vmem>>, vector<16xi32>,
      %add3A_140 = arith.constant 1 : i32
      %add3A_141 = arith.addi %mul3A_138, %add3A_140 : i32
      %get3A_142 = arith.index_cast %add3A_141 : i32 to index
      %get3A_143 = tpu.vector_load %arg9[%get3A_142] {strides = array<i32>} : memref<10016xi32, #tpu.memory_space<vmem>>, vector<16xi32>,
      %ne3A = arith.cmpi ne, %get3A_139, %get3A_143 : vector<16xi32>
      %add3A_144 = vector.broadcast %mul3A_138 : i32 to vector<16xi32>
      %add3A_145 = arith.addi %iota3A, %add3A_144 : vector<16xi32>
      %jit3A = arith.constant -1 : i32
      %broadcast_in_dim3A_146 = vector.broadcast %jit3A : i32 to vector<16xi32>
      %select_n3A = arith.select %ne3A, %add3A_145, %broadcast_in_dim3A_146 : vector<16xi1>, vector<16xi32>
      %broadcast_in_dim3A_147 = arith.constant true
      %broadcast_in_dim3A_148 = vector.broadcast %broadcast_in_dim3A_147 : i1 to vector<16xi1>
      %masked_cummax3A = arith.constant -2147483648 : i32
      %masked_cummax3A_149 = vector.broadcast %masked_cummax3A : i32 to vector<16xi32>
      %masked_cummax3A_150 = arith.xori %select_n3A, %masked_cummax3A_149 : vector<16xi32>
      %masked_cummax3A_151 = tpu.scan <max>, %masked_cummax3A_150 masked %broadcast_in_dim3A_148 : vector<16xi32>, vector<16xi1> -> vector<16xi32>
      %masked_cummax3A_152 = arith.xori %masked_cummax3A_151, %masked_cummax3A_149 : vector<16xi32>
      %swap3A_153 = arith.constant 1 : index
      %swap3A_154 = tpu.vector_load %arg11[%swap3A_153] {strides = array<i32>} : memref<24xi32, #tpu.memory_space<vmem>>, vector<16xi32>,
      tpu.vector_store %arg11[%swap3A_153], %masked_cummax3A_152 {strides = array<i32>} : memref<24xi32, #tpu.memory_space<vmem>>, vector<16xi32>,
      %get3A_155 = arith.constant 0 : index
      %get3A_156 = tpu.vector_load %arg11[%get3A_155] {strides = array<i32>} : memref<24xi32, #tpu.memory_space<vmem>>, vector<16xi32>,
      %broadcast_in_dim3A_157 = vector.broadcast %scan3A_84 : i32 to vector<16xi32>
      %max3A = arith.maxsi %get3A_156, %broadcast_in_dim3A_157 : vector<16xi32>
      %sub3A = arith.subi %add3A_145, %max3A : vector<16xi32>
      %convert_element_type3A_158 = arith.sitofp %sub3A : vector<16xi32> to vector<16xf32>
      tpu.vector_store_idx %arg10[%get3A_139], %convert_element_type3A_158 masked %ne3A : memref<10000xf32, #tpu.memory_space<vmem>>[vector<16xi32>], vector<16xf32>, vector<16xi1>
      %broadcast_in_dim3A_159 = vector.broadcast %scan3A_84 : i32 to vector<16xi32>
      %select_n3A_160 = arith.select %ne3A, %add3A_145, %broadcast_in_dim3A_159 : vector<16xi1>, vector<16xi32>
      %reduce_max3A = arith.constant true
      %reduce_max3A_161 = vector.broadcast %reduce_max3A : i1 to vector<16xi1>
      %reduce_max3A_162 = arith.constant -2147483648 : i32
      %reduce_max3A_163 = vector.broadcast %reduce_max3A_162 : i32 to vector<16xi32>
      %reduce_max3A_164 = arith.xori %select_n3A_160, %reduce_max3A_163 : vector<16xi32>
      %reduce_max3A_165 = tpu.scan <max>, %reduce_max3A_164 masked %reduce_max3A_161 : vector<16xi32>, vector<16xi1> -> vector<16xi32>
      %reduce_max3A_166 = arith.xori %reduce_max3A_165, %reduce_max3A_163 : vector<16xi32>
      %reduce_max3A_167 = vector.extract %reduce_max3A_166[15] : i32 from vector<16xi32>
      %mul3A_168 = arith.constant 5 : i32
      %mul3A_169 = arith.muli %scan3A_83, %mul3A_168 : i32
      %add3A_170 = arith.constant 1 : i32
      %add3A_171 = arith.addi %mul3A_169, %add3A_170 : i32
      %mul3A_172 = arith.constant 16 : i32
      %mul3A_173 = arith.muli %add3A_171, %mul3A_172 : i32
      %get3A_174 = arith.index_cast %mul3A_173 : i32 to index
      %get3A_175 = tpu.vector_load %arg9[%get3A_174] {strides = array<i32>} : memref<10016xi32, #tpu.memory_space<vmem>>, vector<16xi32>,
      %add3A_176 = arith.constant 1 : i32
      %add3A_177 = arith.addi %mul3A_173, %add3A_176 : i32
      %get3A_178 = arith.index_cast %add3A_177 : i32 to index
      %get3A_179 = tpu.vector_load %arg9[%get3A_178] {strides = array<i32>} : memref<10016xi32, #tpu.memory_space<vmem>>, vector<16xi32>,
      %ne3A_180 = arith.cmpi ne, %get3A_175, %get3A_179 : vector<16xi32>
      %add3A_181 = vector.broadcast %mul3A_173 : i32 to vector<16xi32>
      %add3A_182 = arith.addi %iota3A, %add3A_181 : vector<16xi32>
      %jit3A_183 = arith.constant -1 : i32
      %broadcast_in_dim3A_184 = vector.broadcast %jit3A_183 : i32 to vector<16xi32>
      %select_n3A_185 = arith.select %ne3A_180, %add3A_182, %broadcast_in_dim3A_184 : vector<16xi1>, vector<16xi32>
      %broadcast_in_dim3A_186 = arith.constant true
      %broadcast_in_dim3A_187 = vector.broadcast %broadcast_in_dim3A_186 : i1 to vector<16xi1>
      %masked_cummax3A_188 = arith.constant -2147483648 : i32
      %masked_cummax3A_189 = vector.broadcast %masked_cummax3A_188 : i32 to vector<16xi32>
      %masked_cummax3A_190 = arith.xori %select_n3A_185, %masked_cummax3A_189 : vector<16xi32>
      %masked_cummax3A_191 = tpu.scan <max>, %masked_cummax3A_190 masked %broadcast_in_dim3A_187 : vector<16xi32>, vector<16xi1> -> vector<16xi32>
      %masked_cummax3A_192 = arith.xori %masked_cummax3A_191, %masked_cummax3A_189 : vector<16xi32>
      %swap3A_193 = arith.constant 1 : index
      %swap3A_194 = tpu.vector_load %arg11[%swap3A_193] {strides = array<i32>} : memref<24xi32, #tpu.memory_space<vmem>>, vector<16xi32>,
      tpu.vector_store %arg11[%swap3A_193], %masked_cummax3A_192 {strides = array<i32>} : memref<24xi32, #tpu.memory_space<vmem>>, vector<16xi32>,
      %get3A_195 = arith.constant 0 : index
      %get3A_196 = tpu.vector_load %arg11[%get3A_195] {strides = array<i32>} : memref<24xi32, #tpu.memory_space<vmem>>, vector<16xi32>,
      %broadcast_in_dim3A_197 = vector.broadcast %reduce_max3A_167 : i32 to vector<16xi32>
      %max3A_198 = arith.maxsi %get3A_196, %broadcast_in_dim3A_197 : vector<16xi32>
      %sub3A_199 = arith.subi %add3A_182, %max3A_198 : vector<16xi32>
      %convert_element_type3A_200 = arith.sitofp %sub3A_199 : vector<16xi32> to vector<16xf32>
      tpu.vector_store_idx %arg10[%get3A_175], %convert_element_type3A_200 masked %ne3A_180 : memref<10000xf32, #tpu.memory_space<vmem>>[vector<16xi32>], vector<16xf32>, vector<16xi1>
      %broadcast_in_dim3A_201 = vector.broadcast %reduce_max3A_167 : i32 to vector<16xi32>
      %select_n3A_202 = arith.select %ne3A_180, %add3A_182, %broadcast_in_dim3A_201 : vector<16xi1>, vector<16xi32>
      %reduce_max3A_203 = arith.constant true
      %reduce_max3A_204 = vector.broadcast %reduce_max3A_203 : i1 to vector<16xi1>
      %reduce_max3A_205 = arith.constant -2147483648 : i32
      %reduce_max3A_206 = vector.broadcast %reduce_max3A_205 : i32 to vector<16xi32>
      %reduce_max3A_207 = arith.xori %select_n3A_202, %reduce_max3A_206 : vector<16xi32>
      %reduce_max3A_208 = tpu.scan <max>, %reduce_max3A_207 masked %reduce_max3A_204 : vector<16xi32>, vector<16xi1> -> vector<16xi32>
      %reduce_max3A_209 = arith.xori %reduce_max3A_208, %reduce_max3A_206 : vector<16xi32>
      %reduce_max3A_210 = vector.extract %reduce_max3A_209[15] : i32 from vector<16xi32>
      %mul3A_211 = arith.constant 5 : i32
      %mul3A_212 = arith.muli %scan3A_83, %mul3A_211 : i32
      %add3A_213 = arith.constant 2 : i32
      %add3A_214 = arith.addi %mul3A_212, %add3A_213 : i32
      %mul3A_215 = arith.constant 16 : i32
      %mul3A_216 = arith.muli %add3A_214, %mul3A_215 : i32
      %get3A_217 = arith.index_cast %mul3A_216 : i32 to index
      %get3A_218 = tpu.vector_load %arg9[%get3A_217] {strides = array<i32>} : memref<10016xi32, #tpu.memory_space<vmem>>, vector<16xi32>,
      %add3A_219 = arith.constant 1 : i32
      %add3A_220 = arith.addi %mul3A_216, %add3A_219 : i32
      %get3A_221 = arith.index_cast %add3A_220 : i32 to index
      %get3A_222 = tpu.vector_load %arg9[%get3A_221] {strides = array<i32>} : memref<10016xi32, #tpu.memory_space<vmem>>, vector<16xi32>,
      %ne3A_223 = arith.cmpi ne, %get3A_218, %get3A_222 : vector<16xi32>
      %add3A_224 = vector.broadcast %mul3A_216 : i32 to vector<16xi32>
      %add3A_225 = arith.addi %iota3A, %add3A_224 : vector<16xi32>
      %jit3A_226 = arith.constant -1 : i32
      %broadcast_in_dim3A_227 = vector.broadcast %jit3A_226 : i32 to vector<16xi32>
      %select_n3A_228 = arith.select %ne3A_223, %add3A_225, %broadcast_in_dim3A_227 : vector<16xi1>, vector<16xi32>
      %broadcast_in_dim3A_229 = arith.constant true
      %broadcast_in_dim3A_230 = vector.broadcast %broadcast_in_dim3A_229 : i1 to vector<16xi1>
      %masked_cummax3A_231 = arith.constant -2147483648 : i32
      %masked_cummax3A_232 = vector.broadcast %masked_cummax3A_231 : i32 to vector<16xi32>
      %masked_cummax3A_233 = arith.xori %select_n3A_228, %masked_cummax3A_232 : vector<16xi32>
      %masked_cummax3A_234 = tpu.scan <max>, %masked_cummax3A_233 masked %broadcast_in_dim3A_230 : vector<16xi32>, vector<16xi1> -> vector<16xi32>
      %masked_cummax3A_235 = arith.xori %masked_cummax3A_234, %masked_cummax3A_232 : vector<16xi32>
      %swap3A_236 = arith.constant 1 : index
      %swap3A_237 = tpu.vector_load %arg11[%swap3A_236] {strides = array<i32>} : memref<24xi32, #tpu.memory_space<vmem>>, vector<16xi32>,
      tpu.vector_store %arg11[%swap3A_236], %masked_cummax3A_235 {strides = array<i32>} : memref<24xi32, #tpu.memory_space<vmem>>, vector<16xi32>,
      %get3A_238 = arith.constant 0 : index
      %get3A_239 = tpu.vector_load %arg11[%get3A_238] {strides = array<i32>} : memref<24xi32, #tpu.memory_space<vmem>>, vector<16xi32>,
      %broadcast_in_dim3A_240 = vector.broadcast %reduce_max3A_210 : i32 to vector<16xi32>
      %max3A_241 = arith.maxsi %get3A_239, %broadcast_in_dim3A_240 : vector<16xi32>
      %sub3A_242 = arith.subi %add3A_225, %max3A_241 : vector<16xi32>
      %convert_element_type3A_243 = arith.sitofp %sub3A_242 : vector<16xi32> to vector<16xf32>
      tpu.vector_store_idx %arg10[%get3A_218], %convert_element_type3A_243 masked %ne3A_223 : memref<10000xf32, #tpu.memory_space<vmem>>[vector<16xi32>], vector<16xf32>, vector<16xi1>
      %broadcast_in_dim3A_244 = vector.broadcast %reduce_max3A_210 : i32 to vector<16xi32>
      %select_n3A_245 = arith.select %ne3A_223, %add3A_225, %broadcast_in_dim3A_244 : vector<16xi1>, vector<16xi32>
      %reduce_max3A_246 = arith.constant true
      %reduce_max3A_247 = vector.broadcast %reduce_max3A_246 : i1 to vector<16xi1>
      %reduce_max3A_248 = arith.constant -2147483648 : i32
      %reduce_max3A_249 = vector.broadcast %reduce_max3A_248 : i32 to vector<16xi32>
      %reduce_max3A_250 = arith.xori %select_n3A_245, %reduce_max3A_249 : vector<16xi32>
      %reduce_max3A_251 = tpu.scan <max>, %reduce_max3A_250 masked %reduce_max3A_247 : vector<16xi32>, vector<16xi1> -> vector<16xi32>
      %reduce_max3A_252 = arith.xori %reduce_max3A_251, %reduce_max3A_249 : vector<16xi32>
      %reduce_max3A_253 = vector.extract %reduce_max3A_252[15] : i32 from vector<16xi32>
      %mul3A_254 = arith.constant 5 : i32
      %mul3A_255 = arith.muli %scan3A_83, %mul3A_254 : i32
      %add3A_256 = arith.constant 3 : i32
      %add3A_257 = arith.addi %mul3A_255, %add3A_256 : i32
      %mul3A_258 = arith.constant 16 : i32
      %mul3A_259 = arith.muli %add3A_257, %mul3A_258 : i32
      %get3A_260 = arith.index_cast %mul3A_259 : i32 to index
      %get3A_261 = tpu.vector_load %arg9[%get3A_260] {strides = array<i32>} : memref<10016xi32, #tpu.memory_space<vmem>>, vector<16xi32>,
      %add3A_262 = arith.constant 1 : i32
      %add3A_263 = arith.addi %mul3A_259, %add3A_262 : i32
      %get3A_264 = arith.index_cast %add3A_263 : i32 to index
      %get3A_265 = tpu.vector_load %arg9[%get3A_264] {strides = array<i32>} : memref<10016xi32, #tpu.memory_space<vmem>>, vector<16xi32>,
      %ne3A_266 = arith.cmpi ne, %get3A_261, %get3A_265 : vector<16xi32>
      %add3A_267 = vector.broadcast %mul3A_259 : i32 to vector<16xi32>
      %add3A_268 = arith.addi %iota3A, %add3A_267 : vector<16xi32>
      %jit3A_269 = arith.constant -1 : i32
      %broadcast_in_dim3A_270 = vector.broadcast %jit3A_269 : i32 to vector<16xi32>
      %select_n3A_271 = arith.select %ne3A_266, %add3A_268, %broadcast_in_dim3A_270 : vector<16xi1>, vector<16xi32>
      %broadcast_in_dim3A_272 = arith.constant true
      %broadcast_in_dim3A_273 = vector.broadcast %broadcast_in_dim3A_272 : i1 to vector<16xi1>
      %masked_cummax3A_274 = arith.constant -2147483648 : i32
      %masked_cummax3A_275 = vector.broadcast %masked_cummax3A_274 : i32 to vector<16xi32>
      %masked_cummax3A_276 = arith.xori %select_n3A_271, %masked_cummax3A_275 : vector<16xi32>
      %masked_cummax3A_277 = tpu.scan <max>, %masked_cummax3A_276 masked %broadcast_in_dim3A_273 : vector<16xi32>, vector<16xi1> -> vector<16xi32>
      %masked_cummax3A_278 = arith.xori %masked_cummax3A_277, %masked_cummax3A_275 : vector<16xi32>
      %swap3A_279 = arith.constant 1 : index
      %swap3A_280 = tpu.vector_load %arg11[%swap3A_279] {strides = array<i32>} : memref<24xi32, #tpu.memory_space<vmem>>, vector<16xi32>,
      tpu.vector_store %arg11[%swap3A_279], %masked_cummax3A_278 {strides = array<i32>} : memref<24xi32, #tpu.memory_space<vmem>>, vector<16xi32>,
      %get3A_281 = arith.constant 0 : index
      %get3A_282 = tpu.vector_load %arg11[%get3A_281] {strides = array<i32>} : memref<24xi32, #tpu.memory_space<vmem>>, vector<16xi32>,
      %broadcast_in_dim3A_283 = vector.broadcast %reduce_max3A_253 : i32 to vector<16xi32>
      %max3A_284 = arith.maxsi %get3A_282, %broadcast_in_dim3A_283 : vector<16xi32>
      %sub3A_285 = arith.subi %add3A_268, %max3A_284 : vector<16xi32>
      %convert_element_type3A_286 = arith.sitofp %sub3A_285 : vector<16xi32> to vector<16xf32>
      tpu.vector_store_idx %arg10[%get3A_261], %convert_element_type3A_286 masked %ne3A_266 : memref<10000xf32, #tpu.memory_space<vmem>>[vector<16xi32>], vector<16xf32>, vector<16xi1>
      %broadcast_in_dim3A_287 = vector.broadcast %reduce_max3A_253 : i32 to vector<16xi32>
      %select_n3A_288 = arith.select %ne3A_266, %add3A_268, %broadcast_in_dim3A_287 : vector<16xi1>, vector<16xi32>
      %reduce_max3A_289 = arith.constant true
      %reduce_max3A_290 = vector.broadcast %reduce_max3A_289 : i1 to vector<16xi1>
      %reduce_max3A_291 = arith.constant -2147483648 : i32
      %reduce_max3A_292 = vector.broadcast %reduce_max3A_291 : i32 to vector<16xi32>
      %reduce_max3A_293 = arith.xori %select_n3A_288, %reduce_max3A_292 : vector<16xi32>
      %reduce_max3A_294 = tpu.scan <max>, %reduce_max3A_293 masked %reduce_max3A_290 : vector<16xi32>, vector<16xi1> -> vector<16xi32>
      %reduce_max3A_295 = arith.xori %reduce_max3A_294, %reduce_max3A_292 : vector<16xi32>
      %reduce_max3A_296 = vector.extract %reduce_max3A_295[15] : i32 from vector<16xi32>
      %mul3A_297 = arith.constant 5 : i32
      %mul3A_298 = arith.muli %scan3A_83, %mul3A_297 : i32
      %add3A_299 = arith.constant 4 : i32
      %add3A_300 = arith.addi %mul3A_298, %add3A_299 : i32
      %mul3A_301 = arith.constant 16 : i32
      %mul3A_302 = arith.muli %add3A_300, %mul3A_301 : i32
      %get3A_303 = arith.index_cast %mul3A_302 : i32 to index
      %get3A_304 = tpu.vector_load %arg9[%get3A_303] {strides = array<i32>} : memref<10016xi32, #tpu.memory_space<vmem>>, vector<16xi32>,
      %add3A_305 = arith.constant 1 : i32
      %add3A_306 = arith.addi %mul3A_302, %add3A_305 : i32
      %get3A_307 = arith.index_cast %add3A_306 : i32 to index
      %get3A_308 = tpu.vector_load %arg9[%get3A_307] {strides = array<i32>} : memref<10016xi32, #tpu.memory_space<vmem>>, vector<16xi32>,
      %ne3A_309 = arith.cmpi ne, %get3A_304, %get3A_308 : vector<16xi32>
      %add3A_310 = vector.broadcast %mul3A_302 : i32 to vector<16xi32>
      %add3A_311 = arith.addi %iota3A, %add3A_310 : vector<16xi32>
      %jit3A_312 = arith.constant -1 : i32
      %broadcast_in_dim3A_313 = vector.broadcast %jit3A_312 : i32 to vector<16xi32>
      %select_n3A_314 = arith.select %ne3A_309, %add3A_311, %broadcast_in_dim3A_313 : vector<16xi1>, vector<16xi32>
      %broadcast_in_dim3A_315 = arith.constant true
      %broadcast_in_dim3A_316 = vector.broadcast %broadcast_in_dim3A_315 : i1 to vector<16xi1>
      %masked_cummax3A_317 = arith.constant -2147483648 : i32
      %masked_cummax3A_318 = vector.broadcast %masked_cummax3A_317 : i32 to vector<16xi32>
      %masked_cummax3A_319 = arith.xori %select_n3A_314, %masked_cummax3A_318 : vector<16xi32>
      %masked_cummax3A_320 = tpu.scan <max>, %masked_cummax3A_319 masked %broadcast_in_dim3A_316 : vector<16xi32>, vector<16xi1> -> vector<16xi32>
      %masked_cummax3A_321 = arith.xori %masked_cummax3A_320, %masked_cummax3A_318 : vector<16xi32>
      %swap3A_322 = arith.constant 1 : index
      %swap3A_323 = tpu.vector_load %arg11[%swap3A_322] {strides = array<i32>} : memref<24xi32, #tpu.memory_space<vmem>>, vector<16xi32>,
      tpu.vector_store %arg11[%swap3A_322], %masked_cummax3A_321 {strides = array<i32>} : memref<24xi32, #tpu.memory_space<vmem>>, vector<16xi32>,
      %get3A_324 = arith.constant 0 : index
      %get3A_325 = tpu.vector_load %arg11[%get3A_324] {strides = array<i32>} : memref<24xi32, #tpu.memory_space<vmem>>, vector<16xi32>,
      %broadcast_in_dim3A_326 = vector.broadcast %reduce_max3A_296 : i32 to vector<16xi32>
      %max3A_327 = arith.maxsi %get3A_325, %broadcast_in_dim3A_326 : vector<16xi32>
      %sub3A_328 = arith.subi %add3A_311, %max3A_327 : vector<16xi32>
      %convert_element_type3A_329 = arith.sitofp %sub3A_328 : vector<16xi32> to vector<16xf32>
      tpu.vector_store_idx %arg10[%get3A_304], %convert_element_type3A_329 masked %ne3A_309 : memref<10000xf32, #tpu.memory_space<vmem>>[vector<16xi32>], vector<16xf32>, vector<16xi1>
      %broadcast_in_dim3A_330 = vector.broadcast %reduce_max3A_296 : i32 to vector<16xi32>
      %select_n3A_331 = arith.select %ne3A_309, %add3A_311, %broadcast_in_dim3A_330 : vector<16xi1>, vector<16xi32>
      %reduce_max3A_332 = arith.constant true
      %reduce_max3A_333 = vector.broadcast %reduce_max3A_332 : i1 to vector<16xi1>
      %reduce_max3A_334 = arith.constant -2147483648 : i32
      %reduce_max3A_335 = vector.broadcast %reduce_max3A_334 : i32 to vector<16xi32>
      %reduce_max3A_336 = arith.xori %select_n3A_331, %reduce_max3A_335 : vector<16xi32>
      %reduce_max3A_337 = tpu.scan <max>, %reduce_max3A_336 masked %reduce_max3A_333 : vector<16xi32>, vector<16xi1> -> vector<16xi32>
      %reduce_max3A_338 = arith.xori %reduce_max3A_337, %reduce_max3A_335 : vector<16xi32>
      %reduce_max3A_339 = vector.extract %reduce_max3A_338[15] : i32 from vector<16xi32>
      %dma_wait3A_340 = arith.constant 0 : i32
      %dma_wait3A_341 = arith.constant 0 : i32
      %dma_wait3A_342 = tpu.memref_slice %arg7[%rem3A_85, %dma_wait3A_340, %dma_wait3A_341] : memref<2x80x128xf32, #tpu.memory_space<vmem>> -> memref<1x80x128xf32, #tpu.memory_space<vmem>>
      %dma_wait3A_343 = tpu.memref_squeeze %dma_wait3A_342 : memref<1x80x128xf32, #tpu.memory_space<vmem>> -> memref<80x128xf32, #tpu.memory_space<vmem>>
      %dma_wait3A_344 = arith.constant 0 : i32
      %dma_wait3A_345 = tpu.memref_slice %arg8[%rem3A_87, %dma_wait3A_344] : memref<4x80xi32, #tpu.memory_space<vmem>> -> memref<1x80xi32, #tpu.memory_space<vmem>>
      %dma_wait3A_346 = tpu.memref_squeeze %dma_wait3A_345 : memref<1x80xi32, #tpu.memory_space<vmem>> -> memref<80xi32, #tpu.memory_space<vmem>>
      %dma_wait3A_347 = arith.constant 0 : i32
      %dma_wait3A_348 = arith.constant 0 : i32
      %dma_wait3A_349 = tpu.memref_slice %arg12[%dma_wait3A_347, %dma_wait3A_348] : memref<10000x128xf32, #tpu.memory_space<vmem_shared>> -> memref<10000x128xf32, #tpu.memory_space<vmem_shared>>
      tpu.wait_indirect_dma semaphore(%arg15 : memref<!tpu.dma_semaphore, #tpu.memory_space<semaphore_mem>>) src(%dma_wait3A_343 : memref<80x128xf32, #tpu.memory_space<vmem>>) dst(%dma_wait3A_349 : memref<10000x128xf32, #tpu.memory_space<vmem_shared>>)
      scf.yield %reduce_max3A_339 : i32
    }
    %scan3A_76 = arith.constant 125 : i32
    %barrier3A_77 = arith.constant 0 : index
    tpu.barrier barrier_id(%barrier3A_77)
    %mul3A_78 = arith.constant 10000 : i32
    %mul3A_79 = arith.muli %arg0, %mul3A_78 : i32
    %add3A_80 = arith.addi %mul3A_79, %min3A_5 : i32
    "tpu.region"() ({
      %run_scoped3A = tpu.sem_alloc : memref<!tpu.dma_semaphore, #tpu.memory_space<semaphore_mem>>
      %dma_start3A_83 = arith.constant 0 : i32
      %dma_start3A_84 = tpu.memref_slice %arg5[%add3A_80, %dma_start3A_83] : memref<20000x128xf32, #tpu.memory_space<hbm>> -> memref<632x128xf32, #tpu.memory_space<hbm>>
      %dma_start3A_85 = arith.constant 0 : i32
      %dma_start3A_86 = tpu.memref_slice %arg12[%min3A_5, %dma_start3A_85] : memref<10000x128xf32, #tpu.memory_space<vmem_shared>> -> memref<632x128xf32, #tpu.memory_space<vmem_shared>>
      tpu.enqueue_dma source(%dma_start3A_86 : memref<632x128xf32, #tpu.memory_space<vmem_shared>>) target(%dma_start3A_84 : memref<632x128xf32, #tpu.memory_space<hbm>>) target_semaphore(%run_scoped3A : memref<!tpu.dma_semaphore, #tpu.memory_space<semaphore_mem>>)
      %dma_wait3A_87 = arith.constant 0 : i32
      %dma_wait3A_88 = tpu.memref_slice %arg5[%add3A_80, %dma_wait3A_87] : memref<20000x128xf32, #tpu.memory_space<hbm>> -> memref<632x128xf32, #tpu.memory_space<hbm>>
      %dma_wait3A_89 = arith.constant 0 : i32
      %dma_wait3A_90 = tpu.memref_slice %arg12[%min3A_5, %dma_wait3A_89] : memref<10000x128xf32, #tpu.memory_space<vmem_shared>> -> memref<632x128xf32, #tpu.memory_space<vmem_shared>>
      tpu.wait_dma2 semaphore(%run_scoped3A : memref<!tpu.dma_semaphore, #tpu.memory_space<semaphore_mem>>) src(%dma_wait3A_90 : memref<632x128xf32, #tpu.memory_space<vmem_shared>>) dst(%dma_wait3A_88 : memref<632x128xf32, #tpu.memory_space<hbm>>)
      tpu.yield
    }) : () -> ()
    %mul3A_81 = arith.constant 10000 : i32
    %mul3A_82 = arith.muli %add3A, %mul3A_81 : i32
    "tpu.region"() ({
      %run_scoped3A = tpu.sem_alloc : memref<!tpu.dma_semaphore, #tpu.memory_space<semaphore_mem>>
      %dma_start3A_83 = tpu.memref_slice %arg6[%mul3A_82] : memref<320000xf32, #tpu.memory_space<hbm>> -> memref<10000xf32, #tpu.memory_space<hbm>>
      %dma_start3A_84 = tpu.memref_slice %arg6[%mul3A_82] : memref<320000xf32, #tpu.memory_space<hbm>> -> memref<10000xf32, #tpu.memory_space<hbm>>
      tpu.enqueue_dma source(%arg10 : memref<10000xf32, #tpu.memory_space<vmem>>) target(%dma_start3A_84 : memref<10000xf32, #tpu.memory_space<hbm>>) target_semaphore(%run_scoped3A : memref<!tpu.dma_semaphore, #tpu.memory_space<semaphore_mem>>)
      %dma_wait3A_85 = tpu.memref_slice %arg6[%mul3A_82] : memref<320000xf32, #tpu.memory_space<hbm>> -> memref<10000xf32, #tpu.memory_space<hbm>>
      %dma_wait3A_86 = tpu.memref_slice %arg6[%mul3A_82] : memref<320000xf32, #tpu.memory_space<hbm>> -> memref<10000xf32, #tpu.memory_space<hbm>>
      tpu.wait_dma2 semaphore(%run_scoped3A : memref<!tpu.dma_semaphore, #tpu.memory_space<semaphore_mem>>) src(%arg10 : memref<10000xf32, #tpu.memory_space<vmem>>) dst(%dma_wait3A_86 : memref<10000xf32, #tpu.memory_space<hbm>>)
      tpu.yield
    }) : () -> ()
    return
  }
}

module attributes {stable_mosaic.version = 14 : i64} {
  func.func @_divide(%arg0: memref<10000x128xf32, #tpu.memory_space<vmem>>, %arg1: memref<10000x128xf32, #tpu.memory_space<vmem>>, %arg2: memref<32x10000xf32, #tpu.memory_space<vmem>>, %arg3: memref<10000x128xf32, #tpu.memory_space<vmem>>) attributes {dimension_semantics = [], scalar_prefetch = 0 : i64, scratch_operands = 0 : i64, tpu.core_type = #tpu.core_type<tc>} {
    %get3A = arith.constant 0 : index
    %get3A_0 = arith.constant 0 : index
    %get3A_1 = vector.load %arg2[%get3A, %get3A_0] : memref<32x10000xf32, #tpu.memory_space<vmem>>, vector<32x10000xf32>
    %reduce_sum3A = arith.constant dense<0.000000e+00> : vector<10000xf32>
    %reduce_sum3A_2 = vector.multi_reduction <add>, %get3A_1, %reduce_sum3A [0] : vector<32x10000xf32> to vector<10000xf32>
    %max3A = arith.constant 1.000000e+00 : f32
    %max3A_3 = vector.broadcast %max3A : f32 to vector<10000xf32>
    %max3A_4 = arith.maximumf %reduce_sum3A_2, %max3A_3 : vector<10000xf32>
    %get3A_5 = arith.constant 0 : index
    %get3A_6 = arith.constant 0 : index
    %get3A_7 = vector.load %arg0[%get3A_5, %get3A_6] : memref<10000x128xf32, #tpu.memory_space<vmem>>, vector<10000x128xf32>
    %get3A_8 = arith.constant 0 : index
    %get3A_9 = arith.constant 0 : index
    %get3A_10 = vector.load %arg1[%get3A_8, %get3A_9] : memref<10000x128xf32, #tpu.memory_space<vmem>>, vector<10000x128xf32>
    %add3A = arith.addf %get3A_7, %get3A_10 : vector<10000x128xf32>
    %broadcast_in_dim3A = vector.shape_cast %max3A_4 : vector<10000xf32> to vector<10000x1xf32>
    %div3A = vector.broadcast %broadcast_in_dim3A : vector<10000x1xf32> to vector<10000x128xf32>
    %div3A_11 = arith.divf %add3A, %div3A : vector<10000x128xf32>
    %swap3A = arith.constant 0 : index
    %swap3A_12 = arith.constant 0 : index
    %swap3A_13 = vector.load %arg3[%swap3A, %swap3A_12] : memref<10000x128xf32, #tpu.memory_space<vmem>>, vector<10000x128xf32>
    tpu.vector_store %arg3[%swap3A, %swap3A_12], %div3A_11 {strides = array<i32>} : memref<10000x128xf32, #tpu.memory_space<vmem>>, vector<10000x128xf32>,
    return
  }
}

</mosaic_0001>

<sc_bundles>
// kernel: kernel.4.cloned.1.call-start
scs
__scs_entry_jumppad:
0x0: {  	(pc) =	sbr.rel $0x88, $3  }
0x1: {  	(tag) =	ssettag $0x0;
	lr =	simm.s32 $0x1  }
0x2: {  	[smem:$0x3F9F] =	sst lr;
	_ =	strace $0xD0000000  }
0x3: {  	_ = 	snop  }
0x4: {  	_ = 	snop  }
0x5: {  	_ = 	snop  }
0x6: {  	_ = 	snop  }
0x7: {  	_ = 	snop  }
__scs_overlays_trampoline_lowered:
0x8: {  	[smem:$0x3FAE] =	sst s0  }
0x9: {  	[smem:$0x3FAF] =	sst s1  }
0xa: {  	[smem:$0x3FB0] =	sst s2  }
0xb: {  	[smem:$0x3FB1] =	sst s3  }
0xc: {  	[smem:$0x3FB2] =	sst s4  }
0xd: {  	[smem:$0x3FB3] =	sst s5  }
0xe: {  	[smem:$0x3FB4] =	sst s6  }
0xf: {  	[smem:$0x3FB5] =	sst s7  }
0x10: {  	[smem:$0x3FB6] =	sst s8  }
0x11: {  	[smem:$0x3FB7] =	sst s9;
	s0 =	simm.s32 @!p0 $0x0  }
0x12: {  	s1 =	sld [smem:$0x3F9D];
	s0 =	simm.s32 @p0 $0x1  }
0x13: {  	[smem:$0x3FB8] =	sst s0;
	s0 =	simm.s32 @!p1 $0x0  }
0x14: {  	s2 =	sld [smem:$0x3F9C];
	s0 =	simm.s32 @p1 $0x1  }
0x15: {  	[smem:$0x3FB9] =	sst s0;
	s0 =	simm.s32 @!p2 $0x0  }
0x16: {  	s3 =	sld [smem:$0x3FDB];
	s0 =	simm.s32 @p2 $0x1  }
0x17: {  	s4 =	simm.s32 $0x1BF5;
	[smem:$0x3FBB] =	sst s0  }
0x18: {  	s0 =	sld [smem:$0x3F9E];
	_ =	swait.ge [sflag:s4], $0x0  }
0x19: {  	s7 =	sld [smem:$0x3F9F]  }
0x1a: {  	s8 =	sadd.s32 $0xFFFFE003, lr  }
0x1b: {  	s9 =	sadd.s32 $0xFFFFFEF7, lr;
	s5 =	simm.s32 $0xFFFFFFFF;
	p2 =	slt.u32 s8, $0xFFFFF086  }
0x1c: {  	p1 =	slt.u32 s9, $0xF7A;
	s5 =	simm.s32 @!p2 $0x0  }
0x1d: {  	s5 =	simm.s32 @p1 $0x1;
	p0 =	seq.s32 s7, s2  }
0x1e: {  	s7 =	smul.u32 @!p0 $0xF7A, s2;
	p2 =	seq.s32 @!p0 s5, $0x0  }
0x1f: {  	s9 =	smul.u32 $0xF7A, s1;
	s8 =	simm.s32 @!p0 $0x1BF5;
	p2 =	por !p2, p0  }
0x20: {  	[sflag:s8] =	ssyncset.s32 @!p0 $0xFFFFF086;
	s6 =	sadd.s32 @!p0 s3, s7;
	s7 =	simm.s32 @!p0 $0x108  }
0x21: {  	s3 =	sadd.s32 s3, s9;
	s6 =	sadd.s32 @!p0 $0x88, s6;
	s7 =	simm.s32 @p2 $0x1082  }
0x22: {  	[simem:s7], [sflag:s8] =	dma.local @!p0 [hbm:s6], $0xF7A  }
0x23: {  	s9 =	sor.u32 $0xD0000000, s2;
	s6 =	simm.s32 $0x108;
	_ =	swait.ge @!p0 [sflag:s8], $0x0  }
0x24: {  	s3 =	sadd.s32 $0x88, s3;
	s6 =	simm.s32 @!p1 $0x1082;
	[sflag:s4] =	ssyncset.s32 $0xFFFFF086  }
0x25: {  	[simem:s6], [sflag:s4] =	dma.local [hbm:s3], $0xF7A  }
0x26: {  	[smem:$0x3F9F] =	sst s1;
	(tag) =	ssettag s2;
	_ =	strace s9  }
0x27: {  	s1 =	sld [smem:$0x3FAF]  }
0x28: {  	s2 =	sld [smem:$0x3FB0]  }
0x29: {  	s4 =	sld [smem:$0x3FB2]  }
0x2a: {  	p0 =	seq.s32 s5, $0x0;
	s5 =	sld [smem:$0x3FB3]  }
0x2b: {  	s6 =	sld [smem:$0x3FB4]  }
0x2c: {  	s7 =	sld [smem:$0x3FB5]  }
0x2d: {  	s3 =	simm.s32 $0x108;
	s8 =	sld [smem:$0x3FB6]  }
0x2e: {  	s3 =	simm.s32 @!p0 $0x1082;
	s9 =	sld [smem:$0x3FB7]  }
0x2f: {  	lr =	sadd.s32 s0, s3;
	s0 =	sld [smem:$0x3FAE]  }
0x30: {  	s3 =	sld [smem:$0x3FB1]  }
0x31: {  	[smem:$0x3FBA] =	sst s10  }
0x32: {  	s10 =	sld [smem:$0x3FB8];
	_ =	sdelay $0x3  }
0x33: {  	p0 =	seq.s32 s10, $0x1;
	s10 =	sld [smem:$0x3FBA];
	_ =	sdelay $0x3  }
0x34: {  	[smem:$0x3FBA] =	sst s10  }
0x35: {  	s10 =	sld [smem:$0x3FB9];
	_ =	sdelay $0x3  }
0x36: {  	p1 =	seq.s32 s10, $0x1;
	s10 =	sld [smem:$0x3FBA];
	_ =	sdelay $0x3  }
0x37: {  	[smem:$0x3FBA] =	sst s10  }
0x38: {  	s10 =	sld [smem:$0x3FBB]  }
0x39: {  	_ = 	snop;
	(pc) =	sbr.ind lr, $3  }
0x3a: {  	_ = 	snop  }
0x3b: {  	_ = 	snop  }
0x3c: {  	p2 =	seq.s32 s10, $0x1;
	s10 =	sld [smem:$0x3FBA]  }
0x3d: {  	_ =	shalt  }
0x3e: {  	_ =	shalt  }
0x3f: {  	_ =	shalt  }
0x40: {  	_ =	shalt  }
0x41: {  	_ =	shalt  }
0x42: {  	_ =	shalt  }
0x43: {  	_ =	shalt  }
0x44: {  	_ =	shalt  }
0x45: {  	_ =	shalt  }
0x46: {  	_ =	shalt  }
0x47: {  	_ =	shalt  }
0x48: {  	_ =	shalt  }
0x49: {  	_ =	shalt  }
0x4a: {  	_ =	shalt  }
0x4b: {  	_ =	shalt  }
0x4c: {  	_ =	shalt  }
0x4d: {  	_ =	shalt  }
0x4e: {  	_ =	shalt  }
0x4f: {  	_ =	shalt  }
0x50: {  	_ =	shalt  }
0x51: {  	_ =	shalt  }
0x52: {  	_ =	shalt  }
0x53: {  	_ =	shalt  }
0x54: {  	_ =	shalt  }
0x55: {  	_ =	shalt  }
0x56: {  	_ =	shalt  }
0x57: {  	_ =	shalt  }
0x58: {  	_ =	shalt  }
0x59: {  	_ =	shalt  }
0x5a: {  	_ =	shalt  }
0x5b: {  	_ =	shalt  }
0x5c: {  	_ =	shalt  }
0x5d: {  	_ =	shalt  }
0x5e: {  	_ =	shalt  }
0x5f: {  	_ =	shalt  }
0x60: {  	_ =	shalt  }
0x61: {  	_ =	shalt  }
0x62: {  	_ =	shalt  }
0x63: {  	_ =	shalt  }
0x64: {  	_ =	shalt  }
0x65: {  	_ =	shalt  }
0x66: {  	_ =	shalt  }
0x67: {  	_ =	shalt  }
0x68: {  	_ =	shalt  }
0x69: {  	_ =	shalt  }
0x6a: {  	_ =	shalt  }
0x6b: {  	_ =	shalt  }
0x6c: {  	_ =	shalt  }
0x6d: {  	_ =	shalt  }
0x6e: {  	_ =	shalt  }
0x6f: {  	_ =	shalt  }
0x70: {  	_ =	shalt  }
0x71: {  	_ =	shalt  }
0x72: {  	_ =	shalt  }
0x73: {  	_ =	shalt  }
0x74: {  	_ =	shalt  }
0x75: {  	_ =	shalt  }
0x76: {  	_ =	shalt  }
0x77: {  	_ =	shalt  }
0x78: {  	_ =	shalt  }
0x79: {  	_ =	shalt  }
0x7a: {  	_ =	shalt  }
0x7b: {  	_ =	shalt  }
0x7c: {  	_ =	shalt  }
0x7d: {  	_ =	shalt  }
0x7e: {  	_ =	shalt  }
0x7f: {  	_ =	shalt  }
0x80: {  	_ =	shalt  }
0x81: {  	_ =	shalt  }
0x82: {  	_ =	shalt  }
0x83: {  	_ =	shalt  }
0x84: {  	_ =	shalt  }
0x85: {  	_ =	shalt  }
0x86: {  	_ =	shalt  }
0x87: {  	_ =	shalt  }
.Lfunc_end0:
.L_simem_size_0:
called_computation_lowered:
.L_overlay_start_0:
0x88: {  	s2 =	sld [smem:$0x3FD9]  }
0x89: {  	s3 =	sld [smem:$0x3FFE];
	_ =	sdelay $0x1  }
0x8a: {  	s1 =	srdreg.scid  }
0x8b: {  	s0 =	sand.u32 $0x1, s1  }
0x8c: {  	s17 =	sshll.u32 s0, $0xA;
	s2 =	sadd.s32 s3, s2  }
0x8d: {  	s2 =	sadd.s32 s2, s17  }
0x8e: {  	[smem:$0x3FC6] =	sst s2  }
0x8f: {  	_ = 	snop  }
0x90: {  	s2 =	sld [smem:$0x3FC9]  }
0x91: {  	s18 =	sld [smem:$0x3FC8]  }
0x92: {  	s4 =	sld [smem:$0x3FD0];
	(tm) =	ssettm $0x1  }
0x93: {  	s5 =	sld [smem:$0x3FFB];
	_ =	sdelay $0x3  }
0x94: {  	_ =	strace s5  }
0x95: {  	s5 =	sld [smem:$0x3FFC];
	_ =	sdelay $0x3  }
0x96: {  	_ =	strace s5  }
0x97: {  	s5 =	sld [smem:$0x3FFD];
	_ =	sdelay $0x3  }
0x98: {  	_ =	strace s5  }
0x99: {  	_ =	strace $0x8FFFFFFF  }
0x9a: {  	s19 =	sld [smem:$0x3FDB];
	_ =	sdelay $0x1  }
0x9b: {  	s6 =	simm.s32 $_scs_section_size  }
0x9c: {  	s7 =	simm.s32 $_size__tile_overlayer_lowered;
	s8 =	simm.s32 $_tile_overlayer_lowered  }
0x9d: {  	s22 =	simm.s32 $0x1BFF;
	s21 =	sshll.u32 s8, $0x1;
	s5 =	sadd.s32 s6, s19  }
0x9e: {  	s9 =	simm.s32 $0x0;
	s20 =	sshll.u32 s7, $0x1;
	s7 =	sadd.s32 s21, s5  }
0x9f: {  	[timem:s9], [sflag:s22] =	dma.local [hbm:s7], s20  }
0xa0: {  	_ =	swait.ge [sflag:s22], s20  }
0xa1: {  	s6 =	ssub.s32 $0x0, s20;
	[sflag:s22] =	ssyncset.done $0x0  }
0xa2: {  	[sflag:s22] =	ssyncadd.s32 s6;
	_ =	sdelay $0x1  }
0xa3: {  	s23 =	simm.s32 $0x1B8B  }
0xa4: {  	_ =	swait.ge [sflag:s23], $0x1  }
0xa5: {  	[sflag:s23] =	ssyncset.done $0x0  }
0xa6: {  	s25 =	simm.s32 $0x1B8E;
	s24 =	sld [smem:$0x3FFE];
	[sflag:s23] =	ssyncadd.s32 $0xFFFFFFFF  }
0xa7: {  	s26 =	simm.s32 $execute0_lowered;
	[smem:$0x3FD2] =	sst s25  }
0xa8: {  	s7 =	sshll.u32 s26, $0x1;
	_ =	strace $0x80000046;
	[dreg:$0x1] =	wrdreg $0xFFFFFFFF  }
0xa9: {  	s28 =	simm.s32 $_size_execute0_lowered;
	s5 =	sadd.s32 s5, s7;
	[dreg:$0x0] =	wrdreg $0x0  }
0xaa: {  	s7 =	sshll.u32 s28, $0x1;
	[dreg:$0x2] =	wrdreg s5  }
0xab: {  	[dreg:$0x3] =	wrdreg s7  }
0xac: {  	[dreg:$0x4] =	wrdreg $0xC0  }
0xad: {  	_ =	task [dreg:s9], $0x5FFFF  }
0xae: {  	[dreg:$0x1] =	wrdreg $0xFFFFFFFF  }
0xaf: {  	[dreg:$0x0] =	wrdreg $0x60  }
0xb0: {  	[dreg:$0x2] =	wrdreg s2  }
0xb1: {  	[dreg:$0x3] =	wrdreg s18  }
0xb2: {  	[dreg:$0x4] =	wrdreg s4  }
0xb3: {  	[dreg:$0x5] =	wrdreg s24  }
0xb4: {  	[dreg:$0x6] =	wrdreg $0xA1800  }
0xb5: {  	[dreg:$0x7] =	wrdreg $0x9  }
0xb6: {  	_ =	task.clear_ibuf [dreg:s9], $0x8FFFF;
	_ =	strace $0x90000046  }
0xb7: {  	s29 =	simm.s32 $0x9;
	_ =	strace $0x80000048  }
0xb8: {  	_ =	swait.ge [sflag:s29], $0x1  }
0xb9: {  	[sflag:s29] =	ssyncadd.s32 $0xFFFFFFFF  }
0xba: {  	_ =	strace $0x90000048  }
0xbb: {  	_ =	sfence  }
0xbc: {  	s30 =	sld [smem:$0x0];
	_ =	sdelay $0x2  }
0xbd: {  	s31 =	sshll.u32 s1, $0xD;
	s1 =	sshrl.u32 s1, $0x2  }
0xbe: {  	s3 =	sand.u32 $0x4000, s31;
	s1 =	sadd.s32 s1, s30  }
0xbf: {  	s0 =	sor.u32 s3, s0;
	s1 =	sshll.u32 s1, $0x11  }
0xc0: {  	s0 =	sor.u32 s1, s0  }
0xc1: {  	s0 =	sadd.s32 $0x8F2B, s0  }
0xc2: {  	[sflag:s0] =	ssyncadd.remote.s32 $0x1  }
0xc3: {  	_ =	sfence.sel $0xFFFF  }
0xc4: {  	[dreg:$0x0] =	wrdreg $0xFFFFFFFF;
	(pc) =	sbr.abs _section_cstart, $3  }
0xc5: {  	[dreg:$0x1] =	wrdreg $0xFFFFFFFF  }
0xc6: {  	_ =	task.clear_ibuf [dreg:s9], $0x2FFFF;
	_ =	strace $0x9FFFFFFF  }
0xc7: {  	(tm) =	ssettm $0x7FFFFFFF  }
tec
execute0_lowered:
.L_overlay_start_1:
0x0: {  	(tag) =	ssettag $0x1  }
0x1: {  	s11 =	rddreg [dreg:$0x0]  }
0x2: {  	s12 =	rddreg [dreg:$0x1]  }
0x3: {  	s4 =	rddreg [dreg:$0x2]  }
0x4: {  	s5 =	rddreg [dreg:$0x3];
	s0 =	stileid.u32  }
0x5: {  	s1 =	srdreg.scid;
	s6 =	smul.u32 $0x278, s0  }
0x6: {  	s2 =	rddreg [dreg:$0x4];
	s17 =	smul.u32 $0x2710, s0  }
0x7: {  	s3 =	simm.s32 $0x0;
	s9 =	sand.u32 $0x1, s1;
	s28 =	smul.u32 $0x27100, s0  }
0x8: {  	[smem:$0x7FF] =	sst s3;
	s24 =	sshll.u32 s0, $0x6;
	s7 =	smul.u32 $0x2710, s9  }
0x9: {  	s8 =	sshll.u32 s9, $0x4;
	_ =	strace $0x80000047;
	s25 =	smul.u32 $0x27100, s9  }
0xa: {  	s13 =	ssub.s32 $0x2, s9;
	s18 =	smul.u32 $0x271000, s9;
	s6 =	smin.u32 s6, $0x2498  }
0xb: {  	s8 =	sor.u32 s0, s8;
	s20 =	sshrl.u32 s13, $0x1;
	s7 =	sadd.s32 s7, s6  }
0xc: {  	s10 =	smul.u32 $0x2710, s8;
	s13 =	ssub.s32 s13, s20;
	s21 =	sshll.u32 s6, $0x7  }
0xd: {  	s22 =	sshll.u32 s6, $0x4;
	s8 =	smul.u32 $0x27100, s8;
	s26 =	sadd.s32 s17, s25  }
0xe: {  	s29 =	sadd.s32 s18, s11;
	s20 =	simm.s32 $0x50;
	s7 =	sshll.u32 s7, $0x4  }
0xf: {  	s16 =	sadd.s32 s21, s2;
	s23 =	sadd.s32 s4, s22;
	s31 =	sadd.s32 s28, s29  }
0x10: {  	[dreg:$0x6] =	wrdreg s20;
	s20 =	simm.s32 $0x7980;
	s21 =	simm.s32 $0x0  }
0x11: {  	s14 =	sadd.s32 s7, s5;
	s19 =	sshrl.u32 s10, $0x3;
	[dreg:$0x7] =	wrdreg s23  }
0x12: {  	s8 =	sadd.s32 s11, s8;
	s11 =	smax.u32 s13, $0x1;
	s13 =	sadd.s32 $0x500, s31  }
0x13: {  	s15 =	sadd.s32 s19, s5;
	s5 =	sor.u32 $0x1C06, s24;
	s6 =	sadd.s32 s12, s19  }
0x14: {  	s9 =	sadd.s32 $0xC00, s14;
	s14 =	sadd.s32 $0xA0, s26;
	s19 =	simm.s32 $0x5  }
0x15: {  	v0 =	vlaneseq.u32;
	s7 =	sadd.s32 $0xA, s6;
	s10 =	sadd.s32 $0x4EE00, s15;
	s30 =	sshrl.u32 s14, $0x3  }
0x16: {  	v1 =	vimm.f32 $0.0e+00;
	v2 =	vimm.s32 $0xFFFFFFFF;
	v3 =	vor.u32 $0x80000000, v0;
	s14 =	sshrl.u32 s16, $0x3;
	s15 =	simm.s32 $0x6;
	s12 =	sadd.s32 s30, s12  }
.LBB2_1:
0x17: {  	s0 =	rddreg [dreg:$0x7]  }
0x18: {  	[spmem:s14], [sflag:s5] =	dma.local [hbm:s0], $0x2780  }
0x19: {  	_ =	swait.ge [sflag:s15], $0x2780  }
0x1a: {  	[sflag:s15] =	ssyncset.done $0x0  }
0x1b: {  	s29 =	simm.s32 $0x5200;
	[sflag:s15] =	ssyncadd.s32 $0xFFFFD880  }
0x1c: {  	[tilespmem:s29], [sflag:$0x5] =	stream.linear.gather [hbm4b:s6+s3], $0x2710, $0x38;
	[tilespmem:$0x1DA00] =	vst v63  }
0x1d: {  	s30 =	simm.s32 $0x5000  }
0x1e: {  	[tilespmem:s30], [sflag:$0x3] =	stream.linear.gather [hbm4b:s6+s3], $0x50, $0x38;
	[tilespmem:$0x1DA00] =	vst v63  }
0x1f: {  	s31 =	simm.s32 $0x5080;
	s22 =	simm.s32 $0x40;
	s23 =	simm.s32 $0x0  }
0x20: {  	[tilespmem:s31], [sflag:$0x4] =	stream.linear.gather [hbm4b:s7+s3], $0x50, $0x38;
	[tilespmem:$0x1DA00] =	vst v63  }
.LBB2_2:
0x21: {  	p0 =	sne.s32 s22, $0x9C00;
	[tilespmem:s23+$0x7980] =	vst v1;
	s23 =	smov.u32 s22;
	s22 =	sadd.s32 $0x40, s22  }
.Ltmp0:
0x22: {  	(pc) =	sbr.rel @p0 .LBB2_2-.Ltmp0, $2  }
0x23: {  	_ =	sdelay $0x2  }
0x24: {  	s23 =	sshra.s32 s23, $0x2  }
0x25: {  	[tilespmem:s23+$0x7980] =	vst v1  }
0x26: {  	[tilespmem:$0xA100] =	vst v2  }
0x27: {  	_ =	swait.ge [sflag:s19], $0x2710  }
0x28: {  	s22 =	simm.s32 $0x0;
	[sflag:s19] =	ssyncset.done $0x0  }
0x29: {  	s28 =	simm.s32 $0x0;
	p0 =	por $0x0, $0x0;
	[sflag:s19] =	ssyncadd.s32 $0xFFFFD8F0  }
0x2a: {  	s23 =	simm.s32 $0x1;
	s24 =	sand.u32 $0x1, s22;
	s29 =	simm.s32 @!p0 $0x0;
	[tilespmem:$0x7910] =	vst v2  }
0x2b: {  	s30 =	sand.u32 @!p0 $0x1, s23;
	s25 =	sadd.s32 $0x1, s24;
	[bflag:$0x0] =	sbarrier.arrive $0xFFFF  }
0x2c: {  	[tilespmem:s22], [sflag:$0x1] =	stream.linear.gather [hbm4b:s8+s22], $0x2800, $0x38;
	[tilespmem:$0x1DA00] =	vst v63  }
0x2d: {  	p1 =	por @!p0 $0x0, $0x0;
	s28 =	sand.u32 $0x600, s28;
	_ =	swait.ge [sflag:s25], $0x2800  }
0x2e: {  	s26 =	smul.u32 $0xA000, s24;
	s24 =	sadd.s32 $0x3, s24;
	[sflag:s25] =	ssyncset.done $0x0  }
0x2f: {  	s31 =	smul.u32 @!p0 $0xA000, s30;
	p1 =	por p1, p0;
	[sflag:s25] =	ssyncadd.s32 $0xFFFFD800  }
0x30: {  	s17 =	sshrl.u32 s28, $0x2;
	s22 =	simm.s32 $0x400;
	_ =	swait.ge [sflag:s24], $0x50  }
0x31: {  	s25 =	sadd.s32 @!p0 $0x1, s30;
	s30 =	sand.u32 @!p1 $0x600, s22;
	[sflag:s24] =	ssyncset.done $0x0  }
0x32: {  	s31 =	sshrl.u32 @!p0 s31, $0x2;
	s30 =	sshrl.u32 @!p1 s30, $0x2;
	[sflag:s24] =	ssyncadd.s32 $0xFFFFFFB0  }
0x33: {  	[tilespmem:s31], [sflag:s25] =	stream.linear.gather @!p0 [hbm4b:s13+s29], $0x2800, $0x38;
	[tilespmem:$0x1DA00] =	vst v63  }
0x34: {  	s28 =	simm.s32 @!p1 $0x0;
	s26 =	sshrl.u32 s26, $0x2;
	s30 =	sor.u32 @!p1 $0x5000, s30  }
0x35: {  	[tilespmem:s30], [sflag:s24] =	stream.linear.gather @!p1 [hbm4b:s12+s28], $0x50, $0x38;
	[tilespmem:$0x1DA00] =	vst v63  }
0x36: {  	s18 =	rddreg [dreg:$0x6];
	s25 =	sor.u32 $0x5000, s17;
	s30 =	simm.s32 $0x5221  }
0x37: {  	[spmem:s2] =	stream.indirect.scatter.add.f32 [tilespmem:s26], [sflag:$0x5], $0x80, s25, s18, $0xb8;
	[tilespmem:$0x1DA00] =	vst v63  }
0x38: {  	v4 =	vld [tilespmem:s30+$0xFFFFFFDF]  }
0x39: {  	v5 =	vld [tilespmem:s30+$0xFFFFFFE0];
	_ =	sdelay $0x3  }
0x3a: {  	s31 =	simm.s32 $0x0  }
0x3b: {  	vm0 =	vne.s32 v4, v5;
	v5 =	vor.u32 s31, v3  }
0x3c: {  	v5 =	vnsel vm0, $0x7FFFFFFF, v5  }
0x3d: {  	(xrf0) =	vmax.scan.msk.u32 $0xffff, v5;
	_ =	sdelay $0x5  }
0x3e: {  	v5, _, _ =	vpop (xrf0)  }
0x3f: {  	v5 =	vxor.u32 $0x80000000, v5  }
0x40: {  	[tilespmem:$0xA101] =	vst v5  }
0x41: {  	v5 =	vld [tilespmem:$0xA100];
	_ =	sdelay $0x3  }
0x42: {  	s0 =	simm.s32 $0xFFFFFFFF;
	v6 =	vor.u32 s31, v0  }
0x43: {  	v7 =	vnsel vm0, s0, v6;
	vm1 =	vgt.s32 v5, s0  }
0x44: {  	v7 =	vxor.u32 $0x80000000, v7;
	v5 =	vnsel vm1, s0, v5  }
0x45: {  	(xrf0) =	vmax.scan.msk.u32 $0xffff, v7;
	v5 =	vsub.s32 v6, v5  }
0x46: {  	v5 =	vcvt.s32.f32 v5;
	_ =	sdelay $0x1  }
0x47: {  	[tilespmem:v4+s20+$0x0] =	vst.idx.msk vm0, v5  }
0x48: {  	v4 =	vld [tilespmem:s30+$0xFFFFFFEF]  }
0x49: {  	v5 =	vld [tilespmem:s30+$0xFFFFFFF0]  }
0x4a: {  	v6, _, _ =	vpop (xrf0)  }
0x4b: {  	(v2sf) =	vpush v6, $0xF;
	_ =	sdelay $0x1  }
0x4c: {  	s1 =	simm.s32 $0x10  }
0x4d: {  	vm0 =	vne.s32 v4, v5;
	v5 =	vor.u32 s1, v3  }
0x4e: {  	v5 =	vnsel vm0, $0x7FFFFFFF, v5  }
0x4f: {  	(xrf0) =	vmax.scan.msk.u32 $0xffff, v5;
	_ =	sdelay $0x5  }
0x50: {  	v5, _, _ =	vpop (xrf0)  }
0x51: {  	v5 =	vxor.u32 $0x80000000, v5  }
0x52: {  	[tilespmem:$0xA101] =	vst v5  }
0x53: {  	v5 =	vld [tilespmem:$0xA100]  }
0x54: {  	s4 =	spop (v2sf)  }
0x55: {  	v6 =	vor.u32 s1, v0;
	s26 =	sxor.u32 $0x80000000, s4  }
0x56: {  	v7 =	vnsel vm0, s26, v6  }
0x57: {  	v7 =	vxor.u32 $0x80000000, v7  }
0x58: {  	(xrf0) =	vmax.scan.msk.u32 $0xffff, v7;
	vm1 =	vgt.s32 v5, s26  }
0x59: {  	v5 =	vnsel vm1, s26, v5  }
0x5a: {  	v5 =	vsub.s32 v6, v5  }
0x5b: {  	v5 =	vcvt.s32.f32 v5;
	_ =	sdelay $0x1  }
0x5c: {  	[tilespmem:v4+s20+$0x0] =	vst.idx.msk vm0, v5  }
0x5d: {  	v4, _, _ =	vpop (xrf0);
	v5 =	vld [tilespmem:s30+$0xFFFFFFFF]  }
0x5e: {  	(v2sf) =	vpush v4, $0xF;
	v4 =	vld [tilespmem:s30+$0x0];
	_ =	sdelay $0x3  }
0x5f: {  	s16 =	simm.s32 $0x20  }
0x60: {  	vm0 =	vne.s32 v5, v4;
	v4 =	vor.u32 s16, v3  }
0x61: {  	v4 =	vnsel vm0, $0x7FFFFFFF, v4  }
0x62: {  	(xrf0) =	vmax.scan.msk.u32 $0xffff, v4;
	_ =	sdelay $0x5  }
0x63: {  	v4, _, _ =	vpop (xrf0)  }
0x64: {  	v4 =	vxor.u32 $0x80000000, v4  }
0x65: {  	s17 =	spop (v2sf);
	[tilespmem:$0xA101] =	vst v4  }
0x66: {  	v4 =	vor.u32 s16, v0;
	s26 =	sxor.u32 $0x80000000, s17;
	v6 =	vld [tilespmem:$0xA100]  }
0x67: {  	v7 =	vnsel vm0, s26, v4  }
0x68: {  	v7 =	vxor.u32 $0x80000000, v7  }
0x69: {  	(xrf0) =	vmax.scan.msk.u32 $0xffff, v7;
	_ =	sdelay $0x1  }
0x6a: {  	vm1 =	vgt.s32 v6, s26  }
0x6b: {  	v6 =	vnsel vm1, s26, v6  }
0x6c: {  	v4 =	vsub.s32 v4, v6  }
0x6d: {  	v4 =	vcvt.s32.f32 v4  }
0x6e: {  	v6, _, _ =	vpop (xrf0)  }
0x6f: {  	(v2sf) =	vpush v6, $0xF;
	[tilespmem:v5+s20+$0x0] =	vst.idx.msk vm0, v4  }
0x70: {  	v4 =	vld [tilespmem:s30+$0xF]  }
0x71: {  	v5 =	vld [tilespmem:s30+$0x10];
	_ =	sdelay $0x3  }
0x72: {  	s18 =	simm.s32 $0x30  }
0x73: {  	vm0 =	vne.s32 v4, v5;
	v5 =	vor.u32 s18, v3  }
0x74: {  	v5 =	vnsel vm0, $0x7FFFFFFF, v5  }
0x75: {  	(xrf0) =	vmax.scan.msk.u32 $0xffff, v5;
	_ =	sdelay $0x5  }
0x76: {  	v5, _, _ =	vpop (xrf0);
	s29 =	spop (v2sf)  }
0x77: {  	v6 =	vor.u32 s18, v0;
	v5 =	vxor.u32 $0x80000000, v5;
	s26 =	sxor.u32 $0x80000000, s29  }
0x78: {  	[tilespmem:$0xA101] =	vst v5;
	v7 =	vnsel vm0, s26, v6  }
0x79: {  	v5 =	vxor.u32 $0x80000000, v7;
	v7 =	vld [tilespmem:$0xA100]  }
0x7a: {  	(xrf0) =	vmax.scan.msk.u32 $0xffff, v5;
	_ =	sdelay $0x3  }
0x7b: {  	vm1 =	vgt.s32 v7, s26  }
0x7c: {  	v5 =	vnsel vm1, s26, v7  }
0x7d: {  	v7, _, _ =	vpop (xrf0);
	v5 =	vsub.s32 v6, v5  }
0x7e: {  	(v2sf) =	vpush v7, $0xF;
	v5 =	vcvt.s32.f32 v5;
	_ =	sdelay $0x1  }
0x7f: {  	[tilespmem:v4+s20+$0x0] =	vst.idx.msk vm0, v5  }
0x80: {  	v4 =	vld [tilespmem:s30+$0x1F]  }
0x81: {  	v5 =	vld [tilespmem:s30+$0x20];
	_ =	sdelay $0x3  }
0x82: {  	s30 =	simm.s32 $0x40  }
0x83: {  	v6 =	vor.u32 s30, v3;
	vm0 =	vne.s32 v4, v5  }
0x84: {  	v5 =	vnsel vm0, $0x7FFFFFFF, v6  }
0x85: {  	(xrf0) =	vmax.scan.msk.u32 $0xffff, v5;
	_ =	sdelay $0x3  }
0x86: {  	s31 =	spop (v2sf)  }
0x87: {  	v5 =	vor.u32 s30, v0;
	s25 =	sxor.u32 $0x80000000, s31  }
0x88: {  	v7, _, _ =	vpop (xrf0);
	v6 =	vnsel vm0, s25, v5  }
0x89: {  	v7 =	vxor.u32 $0x80000000, v7;
	v6 =	vxor.u32 $0x80000000, v6  }
0x8a: {  	[tilespmem:$0xA101] =	vst v7;
	(xrf0) =	vmax.scan.msk.u32 $0xffff, v6  }
0x8b: {  	v6 =	vld [tilespmem:$0xA100];
	_ =	sdelay $0x4  }
0x8c: {  	s24 =	simm.s32 $0x90;
	vm1 =	vgt.s32 v6, s25;
	v7, _, _ =	vpop (xrf0)  }
0x8d: {  	s28 =	smov.u32 s12;
	s26 =	simm.s32 $0x5271;
	v6 =	vnsel vm1, s25, v6;
	s25 =	sadd.s32 $0x500, s13;
	(v2sf) =	vpush v7, $0xF  }
.LBB2_4:
0x8e: {  	v5 =	vsub.s32 v5, v6  }
0x8f: {  	v5 =	vcvt.s32.f32 v5;
	_ =	sdelay $0x1  }
0x90: {  	s22 =	sadd.s32 $0x200, s22;
	s28 =	sadd.s32 $0xA, s28;
	s29 =	smov.u32 s24;
	[tilespmem:v4+s20+$0x0] =	vst.idx.msk vm0, v5  }
0x91: {  	s30 =	smov.u32 s23;
	s31 =	sand.u32 $0x1, s23;
	_ =	swait.ge [sflag:s19], $0x2800  }
0x92: {  	s23 =	sadd.s32 $0x1, s23;
	s1 =	sadd.s32 $0x1, s31;
	[sflag:s19] =	ssyncset.done $0x0  }
0x93: {  	s0 =	smul.u32 $0xA000, s31;
	s16 =	sadd.s32 $0xFFFFFC00, s22;
	[sflag:s19] =	ssyncadd.s32 $0xFFFFD800  }
0x94: {  	p1 =	seq.s32 s29, $0x2700;
	s31 =	sadd.s32 $0x3, s31;
	_ =	swait.ge [sflag:s1], $0x2800  }
0x95: {  	s17 =	simm.s32 @!p1 $0x0;
	s18 =	sand.u32 @!p1 $0x1, s23;
	[sflag:s1] =	ssyncset.done $0x0  }
0x96: {  	p2 =	sgt.u32 @!p1 s30, $0x7A;
	s4 =	smul.u32 @!p1 $0xA000, s18;
	[sflag:s1] =	ssyncadd.s32 $0xFFFFD800  }
0x97: {  	s16 =	sand.u32 $0x600, s16;
	p2 =	por p2, p1;
	_ =	swait.ge [sflag:s31], $0x50  }
0x98: {  	s1 =	sshrl.u32 @!p1 s4, $0x2;
	s4 =	sand.u32 @!p2 $0x600, s22;
	[sflag:s31] =	ssyncset.done $0x0  }
0x99: {  	s18 =	sadd.s32 @!p1 $0x1, s18;
	s4 =	sshrl.u32 @!p2 s4, $0x2;
	[sflag:s31] =	ssyncadd.s32 $0xFFFFFFB0  }
0x9a: {  	[tilespmem:s1], [sflag:s18] =	stream.linear.gather @!p1 [hbm4b:s25+s17], $0x2800, $0x38;
	[tilespmem:$0x1DA00] =	vst v63  }
0x9b: {  	s4 =	sor.u32 @!p2 $0x5000, s4;
	s17 =	sshrl.u32 s16, $0x2;
	s16 =	simm.s32 @!p2 $0x0  }
0x9c: {  	[tilespmem:s4], [sflag:s31] =	stream.linear.gather @!p2 [hbm4b:s28+s16], $0x50, $0x38;
	[tilespmem:$0x1DA00] =	vst v63  }
0x9d: {  	s0 =	sshrl.u32 s0, $0x2;
	s18 =	rddreg [dreg:$0x6];
	s1 =	sor.u32 $0x5000, s17  }
0x9e: {  	[spmem:s2] =	stream.indirect.scatter.add.f32 [tilespmem:s0], [sflag:$0x5], $0x80, s1, s18, $0xb8;
	[tilespmem:$0x1DA00] =	vst v63  }
0x9f: {  	v4 =	vld [tilespmem:s26+$0xFFFFFFDF]  }
0xa0: {  	v5 =	vld [tilespmem:s26+$0xFFFFFFE0];
	_ =	sdelay $0x3  }
0xa1: {  	s31 =	sadd.s32 $0xFFFFFFC0, s29  }
0xa2: {  	v6 =	vor.u32 s31, v3;
	vm0 =	vne.s32 v4, v5  }
0xa3: {  	v6 =	vnsel vm0, $0x7FFFFFFF, v6  }
0xa4: {  	(xrf0) =	vmax.scan.msk.u32 $0xffff, v6;
	_ =	sdelay $0x1  }
0xa5: {  	s30 =	spop (v2sf)  }
0xa6: {  	s30 =	sxor.u32 $0x80000000, s30;
	v5 =	vor.u32 s31, v0  }
0xa7: {  	v7 =	vnsel vm0, s30, v5  }
0xa8: {  	v7 =	vxor.u32 $0x80000000, v7  }
0xa9: {  	(xrf0) =	vmax.scan.msk.u32 $0xffff, v7;
	v6, _, _ =	vpop (xrf0)  }
0xaa: {  	v6 =	vxor.u32 $0x80000000, v6  }
0xab: {  	[tilespmem:$0xA101] =	vst v6  }
0xac: {  	v6 =	vld [tilespmem:$0xA100];
	_ =	sdelay $0x2  }
0xad: {  	v7, _, _ =	vpop (xrf0)  }
0xae: {  	(v2sf) =	vpush v7, $0xF  }
0xaf: {  	vm1 =	vgt.s32 v6, s30  }
0xb0: {  	v6 =	vnsel vm1, s30, v6  }
0xb1: {  	v5 =	vsub.s32 v5, v6  }
0xb2: {  	v5 =	vcvt.s32.f32 v5;
	_ =	sdelay $0x1  }
0xb3: {  	[tilespmem:v4+s20+$0x0] =	vst.idx.msk vm0, v5  }
0xb4: {  	v4 =	vld [tilespmem:s26+$0xFFFFFFEF]  }
0xb5: {  	v5 =	vld [tilespmem:s26+$0xFFFFFFF0];
	_ =	sdelay $0x3  }
0xb6: {  	s4 =	sadd.s32 $0xFFFFFFD0, s29  }
0xb7: {  	vm0 =	vne.s32 v4, v5;
	v5 =	vor.u32 s4, v3  }
0xb8: {  	v5 =	vnsel vm0, $0x7FFFFFFF, v5  }
0xb9: {  	s1 =	spop (v2sf);
	(xrf0) =	vmax.scan.msk.u32 $0xffff, v5  }
0xba: {  	v6 =	vor.u32 s4, v0;
	s0 =	sxor.u32 $0x80000000, s1  }
0xbb: {  	v5 =	vnsel vm0, s0, v6  }
0xbc: {  	v5 =	vxor.u32 $0x80000000, v5;
	_ =	sdelay $0x2  }
0xbd: {  	(xrf0) =	vmax.scan.msk.u32 $0xffff, v5;
	v5, _, _ =	vpop (xrf0)  }
0xbe: {  	v5 =	vxor.u32 $0x80000000, v5  }
0xbf: {  	[tilespmem:$0xA101] =	vst v5  }
0xc0: {  	v5 =	vld [tilespmem:$0xA100];
	_ =	sdelay $0x4  }
0xc1: {  	v7, _, _ =	vpop (xrf0);
	vm1 =	vgt.s32 v5, s0  }
0xc2: {  	(v2sf) =	vpush v7, $0xF;
	v5 =	vnsel vm1, s0, v5  }
0xc3: {  	v5 =	vsub.s32 v6, v5  }
0xc4: {  	v5 =	vcvt.s32.f32 v5;
	_ =	sdelay $0x1  }
0xc5: {  	[tilespmem:v4+s20+$0x0] =	vst.idx.msk vm0, v5  }
0xc6: {  	v4 =	vld [tilespmem:s26+$0xFFFFFFFF]  }
0xc7: {  	v5 =	vld [tilespmem:s26+$0x0];
	_ =	sdelay $0x3  }
0xc8: {  	s16 =	sadd.s32 $0xFFFFFFE0, s29  }
0xc9: {  	v6 =	vor.u32 s16, v3;
	vm0 =	vne.s32 v4, v5  }
0xca: {  	v6 =	vnsel vm0, $0x7FFFFFFF, v6  }
0xcb: {  	(xrf0) =	vmax.scan.msk.u32 $0xffff, v6;
	_ =	sdelay $0x1  }
0xcc: {  	s17 =	spop (v2sf)  }
0xcd: {  	s1 =	sxor.u32 $0x80000000, s17;
	v5 =	vor.u32 s16, v0  }
0xce: {  	v7 =	vnsel vm0, s1, v5  }
0xcf: {  	v7 =	vxor.u32 $0x80000000, v7  }
0xd0: {  	(xrf0) =	vmax.scan.msk.u32 $0xffff, v7;
	v6, _, _ =	vpop (xrf0)  }
0xd1: {  	v6 =	vxor.u32 $0x80000000, v6  }
0xd2: {  	[tilespmem:$0xA101] =	vst v6  }
0xd3: {  	v6 =	vld [tilespmem:$0xA100];
	_ =	sdelay $0x2  }
0xd4: {  	v7, _, _ =	vpop (xrf0)  }
0xd5: {  	(v2sf) =	vpush v7, $0xF  }
0xd6: {  	vm1 =	vgt.s32 v6, s1  }
0xd7: {  	v6 =	vnsel vm1, s1, v6  }
0xd8: {  	v5 =	vsub.s32 v5, v6  }
0xd9: {  	v5 =	vcvt.s32.f32 v5;
	_ =	sdelay $0x1  }
0xda: {  	[tilespmem:v4+s20+$0x0] =	vst.idx.msk vm0, v5  }
0xdb: {  	v4 =	vld [tilespmem:s26+$0xF]  }
0xdc: {  	v5 =	vld [tilespmem:s26+$0x10];
	_ =	sdelay $0x3  }
0xdd: {  	s30 =	sadd.s32 $0xFFFFFFF0, s29  }
0xde: {  	vm0 =	vne.s32 v4, v5;
	v5 =	vor.u32 s30, v3  }
0xdf: {  	v5 =	vnsel vm0, $0x7FFFFFFF, v5  }
0xe0: {  	s18 =	spop (v2sf);
	(xrf0) =	vmax.scan.msk.u32 $0xffff, v5  }
0xe1: {  	v6 =	vor.u32 s30, v0;
	s0 =	sxor.u32 $0x80000000, s18  }
0xe2: {  	v5 =	vnsel vm0, s0, v6  }
0xe3: {  	v5 =	vxor.u32 $0x80000000, v5;
	_ =	sdelay $0x2  }
0xe4: {  	(xrf0) =	vmax.scan.msk.u32 $0xffff, v5;
	v5, _, _ =	vpop (xrf0)  }
0xe5: {  	v5 =	vxor.u32 $0x80000000, v5  }
0xe6: {  	[tilespmem:$0xA101] =	vst v5  }
0xe7: {  	v5 =	vld [tilespmem:$0xA100];
	_ =	sdelay $0x4  }
0xe8: {  	vm1 =	vgt.s32 v5, s0  }
0xe9: {  	v5 =	vnsel vm1, s0, v5  }
0xea: {  	v7, _, _ =	vpop (xrf0);
	v5 =	vsub.s32 v6, v5  }
0xeb: {  	(v2sf) =	vpush v7, $0xF;
	v5 =	vcvt.s32.f32 v5;
	_ =	sdelay $0x1  }
0xec: {  	[tilespmem:v4+s20+$0x0] =	vst.idx.msk vm0, v5  }
0xed: {  	v4 =	vld [tilespmem:s26+$0x1F]  }
0xee: {  	v5 =	vld [tilespmem:s26+$0x20];
	_ =	sdelay $0x4  }
0xef: {  	v6 =	vor.u32 s29, v3;
	vm0 =	vne.s32 v4, v5  }
0xf0: {  	v6 =	vnsel vm0, $0x7FFFFFFF, v6  }
0xf1: {  	(xrf0) =	vmax.scan.msk.u32 $0xffff, v6;
	_ =	sdelay $0x3  }
0xf2: {  	s31 =	spop (v2sf)  }
0xf3: {  	s0 =	sxor.u32 $0x80000000, s31;
	v5 =	vor.u32 s29, v0  }
0xf4: {  	v7 =	vnsel vm0, s0, v5;
	v6, _, _ =	vpop (xrf0)  }
0xf5: {  	v7 =	vxor.u32 $0x80000000, v7;
	v6 =	vxor.u32 $0x80000000, v6  }
0xf6: {  	(xrf0) =	vmax.scan.msk.u32 $0xffff, v7;
	[tilespmem:$0xA101] =	vst v6  }
0xf7: {  	s24 =	sadd.s32 $0x50, s24;
	v6 =	vld [tilespmem:$0xA100]  }
0xf8: {  	p0 =	sne.s32 s24, $0x2750  }
.Ltmp1:
0xf9: {  	_ = 	snop;
	(pc) =	sbr.rel @p0 .LBB2_4-.Ltmp1, $3  }
0xfa: {  	_ =	sdelay $0x1  }
0xfb: {  	v7, _, _ =	vpop (xrf0);
	vm1 =	vgt.s32 v6, s0  }
0xfc: {  	s25 =	sadd.s32 $0x500, s25;
	s26 =	sadd.s32 $0x50, s26;
	(v2sf) =	vpush v7, $0xF;
	v6 =	vnsel vm1, s0, v6  }
0xfd: {  	_ =	sdelay $0x7  }
0xfe: {  	v5 =	vsub.s32 v5, v6  }
0xff: {  	v5 =	vcvt.s32.f32 v5;
	_ =	sdelay $0x1  }
0x100: {  	[tilespmem:v4+s20+$0x0] =	vst.idx.msk vm0, v5  }
0x101: {  	_ =	swait.ge [sflag:s19], $0x2800  }
0x102: {  	[sflag:s19] =	ssyncset.done $0x0  }
0x103: {  	[sflag:s19] =	ssyncadd.s32 $0xFFFFD800;
	s0 =	spop (v2sf)  }
0x104: {  	[bflag:$0x0] =	sbarrier.arrive $0xFFFF  }
0x105: {  	[hbm:s9], [sflag:s5] =	dma.local [spmem:s14], $0x2780  }
0x106: {  	s21 =	sadd.s32 $0x1, s21;
	_ =	swait.ge [sflag:s15], $0x2780  }
0x107: {  	p0 =	sne.s32 s21, s11;
	[sflag:s15] =	ssyncset.done $0x0  }
.Ltmp2:
0x108: {  	[sflag:s15] =	ssyncadd.s32 $0xFFFFD880;
	(pc) =	sbr.rel @p0 .LBB2_1-.Ltmp2, $4  }
0x109: {  	[hbm4b:s10+s3] =	stream.linear.scatter [tilespmem:s20], [sflag:$0x6], $0x2710, $0x38;
	[tilespmem:$0x1DA00] =	vst v63  }
0x10a: {  	_ =	swait.ge [sflag:s15], $0x2710  }
0x10b: {  	[sflag:s15] =	ssyncset.done $0x0  }
0x10c: {  	[sflag:s15] =	ssyncadd.s32 $0xFFFFD8F0  }
0x10d: {  	_ =	sfence.sel $0x180000  }
0x10e: {  	[bflag:$0x0] =	sbarrier.arrive $0xFFFF  }
0x10f: {  	_ =	strace $0x90000047  }
0x110: {  	s0 =	stileid.u32;
	[bflag:$0x2] =	sbarrier.arrive $0xFFFF  }
0x111: {  	p0 =	sne.s32 s0, $0x0;
	s0 =	rddreg [dreg:$0x5]  }
0x112: {  	s0 =	sadd.s32 @!p0 $0x100000, s0  }
0x113: {  	[sflag:s0] =	ssyncadd.tile.s32 @!p0 $0x1;
	_ =	shalt  }
.Lfunc_end2:
_tile_overlayer_lowered:
.L_overlay_start_2:
0x114: {  	(tag) =	ssettag $0x2  }
0x115: {  	s0 =	rddreg [dreg:$0x0];
	s2 =	stileid.u32  }
0x116: {  	s1 =	rddreg [dreg:$0x1];
	p0 =	sne.s32 s2, $0x0  }
0x117: {  	s3 =	rddreg [dreg:$0x2];
	[bflag:$0x3] =	sbarrier.arrive $0xFFFF;
	s2 =	simm.s32 @!p0 $0x1C06  }
0x118: {  	[timem:s3], [sflag:s2] =	dma.local @!p0 [hbm:s0], s1  }
0x119: {  	s0 =	simm.s32 @!p0 $0x6  }
0x11a: {  	_ =	swait.ge @!p0 [sflag:s0], s1  }
0x11b: {  	s1 =	ssub.s32 @!p0 $0x0, s1;
	[sflag:s0] =	ssyncset.done @!p0 $0x0  }
0x11c: {  	[sflag:s0] =	ssyncadd.s32 @!p0 s1  }
0x11d: {  	[bflag:$0x3] =	sbarrier.arrive $0xFFFF  }
0x11e: {  	_ =	shalt  }

</sc_bundles>
